<compile_context>
chip_gen: v7x
topology: tpu7x:2x2x1
jax: 0.10.2.dev20260603
libtpu: 0.0.44.dev20260713+nightly
codegen_flags: <defaults>
</compile_context>

<pallas_src>
import functools

import jax
import jax.numpy as jnp
from jax import lax
from jax.experimental import pallas as pl
from jax.experimental.pallas import tpu as pltpu
from jax.experimental.pallas import tpu_sc as plsc

N = 10000
NPAD = 10240
NW = 32
EPER = 10240
EPAD = NW * EPER
TROWS = NPAD // 16
DEGW = 16
KDEG = 128

_MESH = plsc.VectorSubcoreMesh(
    core_axis_name="c", subcore_axis_name="s", num_cores=2, num_subcores=16
)

_SC_PARAMS = pltpu.CompilerParams(use_tc_tiling_on_sc=False)


@functools.partial(
    pl.kernel,
    out_type=jax.ShapeDtypeStruct((2, NPAD, DEGW), jnp.float32),
    mesh=_MESH,
    scratch_types=[
        pltpu.VMEM((EPER // KDEG, KDEG), jnp.int32),
        pltpu.VMEM((KDEG, DEGW), jnp.float32),
        pltpu.VMEM_SHARED((NPAD, DEGW), jnp.float32),
    ],
    compiler_params=_SC_PARAMS,
)
def _deg_kernel(ec_hbm, ones_hbm, zz_hbm, out_hbm, col_v, obuf, acc):
    cc = lax.axis_index("c")
    ss = lax.axis_index("s")
    wid = cc * 16 + ss
    pltpu.sync_copy(zz_hbm.at[pl.ds(ss * TROWS, TROWS)],
                    acc.at[pl.ds(ss * TROWS, TROWS)])
    pltpu.sync_copy(ones_hbm, obuf)
    pltpu.sync_copy(ec_hbm.at[wid], col_v)
    plsc.subcore_barrier()

    def step(j, carry):
        pltpu.sync_copy(obuf, acc.at[col_v.at[j]], add=True)
        return carry

    lax.fori_loop(0, EPER // KDEG, step, 0)
    plsc.subcore_barrier()
    pltpu.sync_copy(acc.at[pl.ds(ss * TROWS, TROWS)],
                    out_hbm.at[cc, pl.ds(ss * TROWS, TROWS)])


def _make_agg(F):
    K = 128
    CH = EPER // K
    CHH = CH // 2
    NPAIR = CHH // 2

    @functools.partial(
        pl.kernel,
        out_type=jax.ShapeDtypeStruct((2, NPAD, F), jnp.float32),
        mesh=_MESH,
        scratch_types=[
            pltpu.VMEM((CHH, K), jnp.int32),
            pltpu.VMEM((CHH, K), jnp.int32),
            pltpu.VMEM((K, F), jnp.float32),
            pltpu.VMEM((K, F), jnp.float32),
            pltpu.VMEM_SHARED((NPAD, F), jnp.float32),
            pltpu.SemaphoreType.DMA,
            pltpu.SemaphoreType.DMA,
            pltpu.SemaphoreType.DMA,
            pltpu.SemaphoreType.DMA,
        ],
        compiler_params=_SC_PARAMS,
    )
    def agg(h_hbm, er_hbm, ec_hbm, zk_hbm, out_hbm, row_v, col_v, gbufa,
            gbufb, acc, sga, sgb, ssa, ssb):
        cc = lax.axis_index("c")
        ss = lax.axis_index("s")
        wid = cc * 16 + ss
        pltpu.sync_copy(zk_hbm, gbufa)
        for m in range(TROWS // K):
            pltpu.sync_copy(gbufa, acc.at[pl.ds(ss * TROWS + m * K, K)])
        plsc.subcore_barrier()

        for half in range(2):
            pltpu.sync_copy(er_hbm.at[wid, pl.ds(half * CHH, CHH)], row_v)
            pltpu.sync_copy(ec_hbm.at[wid, pl.ds(half * CHH, CHH)], col_v)
            pltpu.async_copy(h_hbm.at[row_v.at[0]], gbufa, sga)

            def pair(i, carry):
                ja = 2 * i
                jb = 2 * i + 1
                pltpu.make_async_copy(h_hbm.at[row_v.at[ja]], gbufa,
                                      sga).wait()
                pltpu.make_async_copy(gbufa, acc.at[col_v.at[ja]],
                                      ssa).start(add=True)

                @pl.when(i > 0)
                def _():
                    pltpu.make_async_copy(gbufb, acc.at[col_v.at[jb - 2]],
                                          ssb).wait()

                pltpu.async_copy(h_hbm.at[row_v.at[jb]], gbufb, sgb)
                pltpu.make_async_copy(h_hbm.at[row_v.at[jb]], gbufb,
                                      sgb).wait()
                pltpu.make_async_copy(gbufb, acc.at[col_v.at[jb]],
                                      ssb).start(add=True)
                pltpu.make_async_copy(gbufa, acc.at[col_v.at[ja]],
                                      ssa).wait()

                @pl.when(ja + 2 < CHH)
                def _():
                    pltpu.async_copy(h_hbm.at[row_v.at[ja + 2]], gbufa, sga)

                return carry

            lax.fori_loop(0, NPAIR, pair, 0)
            pltpu.make_async_copy(gbufb, acc.at[col_v.at[CHH - 1]],
                                  ssb).wait()

        plsc.subcore_barrier()
        pltpu.sync_copy(acc.at[pl.ds(ss * TROWS, TROWS)],
                        out_hbm.at[cc, pl.ds(ss * TROWS, TROWS)])

    return agg


_agg128 = _make_agg(128)


def _make_agg_staged(F):
    K = 128
    CH = EPER // K
    CHH = CH // 2
    NPAIR = CHH // 2
    HROWS = N
    SROWS = HROWS // 16

    @functools.partial(
        pl.kernel,
        out_type=jax.ShapeDtypeStruct((2, NPAD, F), jnp.float32),
        mesh=_MESH,
        scratch_types=[
            pltpu.VMEM((CHH, K), jnp.int32),
            pltpu.VMEM((CHH, K), jnp.int32),
            pltpu.VMEM((K, F), jnp.float32),
            pltpu.VMEM((K, F), jnp.float32),
            pltpu.VMEM_SHARED((NPAD, F), jnp.float32),
            pltpu.VMEM_SHARED((HROWS, F), jnp.float32),
            pltpu.SemaphoreType.DMA,
            pltpu.SemaphoreType.DMA,
            pltpu.SemaphoreType.DMA,
            pltpu.SemaphoreType.DMA,
        ],
        compiler_params=_SC_PARAMS,
    )
    def agg(h_hbm, er_hbm, ec_hbm, zk_hbm, out_hbm, row_v, col_v, gbufa,
            gbufb, acc, hstage, sga, sgb, ssa, ssb):
        cc = lax.axis_index("c")
        ss = lax.axis_index("s")
        wid = cc * 16 + ss
        pltpu.sync_copy(zk_hbm, gbufa)
        for m in range(TROWS // K):
            pltpu.sync_copy(gbufa, acc.at[pl.ds(ss * TROWS + m * K, K)])
        pltpu.sync_copy(h_hbm.at[pl.ds(ss * SROWS, SROWS)],
                        hstage.at[pl.ds(ss * SROWS, SROWS)])
        plsc.subcore_barrier()

        for half in range(2):
            pltpu.sync_copy(er_hbm.at[wid, pl.ds(half * CHH, CHH)], row_v)
            pltpu.sync_copy(ec_hbm.at[wid, pl.ds(half * CHH, CHH)], col_v)
            pltpu.async_copy(hstage.at[row_v.at[0]], gbufa, sga)

            def pair(i, carry):
                ja = 2 * i
                jb = 2 * i + 1
                pltpu.make_async_copy(hstage.at[row_v.at[ja]], gbufa,
                                      sga).wait()
                pltpu.make_async_copy(gbufa, acc.at[col_v.at[ja]],
                                      ssa).start(add=True)

                @pl.when(i > 0)
                def _():
                    pltpu.make_async_copy(gbufb, acc.at[col_v.at[jb - 2]],
                                          ssb).wait()

                pltpu.async_copy(hstage.at[row_v.at[jb]], gbufb, sgb)
                pltpu.make_async_copy(hstage.at[row_v.at[jb]], gbufb,
                                      sgb).wait()
                pltpu.make_async_copy(gbufb, acc.at[col_v.at[jb]],
                                      ssb).start(add=True)
                pltpu.make_async_copy(gbufa, acc.at[col_v.at[ja]],
                                      ssa).wait()

                @pl.when(ja + 2 < CHH)
                def _():
                    pltpu.async_copy(hstage.at[row_v.at[ja + 2]], gbufa, sga)

                return carry

            lax.fori_loop(0, NPAIR, pair, 0)
            pltpu.make_async_copy(gbufb, acc.at[col_v.at[CHH - 1]],
                                  ssb).wait()

        plsc.subcore_barrier()
        pltpu.sync_copy(acc.at[pl.ds(ss * TROWS, TROWS)],
                        out_hbm.at[cc, pl.ds(ss * TROWS, TROWS)])

    return agg


_agg64 = _make_agg_staged(64)


def _tc1_body(degp, x, w1, h1p_o, dinv_o):
    deg = degp[0, 0:N, 0:1] + degp[1, 0:N, 0:1] + 1.0
    dinv = lax.rsqrt(deg)
    h = jnp.dot(x[...], w1[...], preferred_element_type=jnp.float32)
    h1p_o[...] = h * dinv
    dinv_o[...] = dinv


def _tc2_body(p, h1p, dinv, b1, w2, h2p_o):
    s = p[0, 0:N, :] + p[1, 0:N, :] + h1p[...]
    o1 = jnp.maximum(dinv[...] * s + b1[...], 0.0)
    h2p_o[...] = dinv[...] * jnp.dot(o1, w2[...],
                                     preferred_element_type=jnp.float32)


def _tc3_body(p2, h2p, dinv, b2, out_o):
    out_o[...] = dinv[...] * (p2[0, 0:N, :] + p2[1, 0:N, :] + h2p[...]) \
        + b2[...]


_tc1 = pl.pallas_call(
    _tc1_body,
    out_shape=[
        jax.ShapeDtypeStruct((N, 128), jnp.float32),
        jax.ShapeDtypeStruct((N, 1), jnp.float32),
    ],
)

_tc2 = pl.pallas_call(
    _tc2_body,
    out_shape=jax.ShapeDtypeStruct((N, 64), jnp.float32),
)

_tc3 = pl.pallas_call(
    _tc3_body,
    out_shape=jax.ShapeDtypeStruct((N, 64), jnp.float32),
)


def kernel(x, edge_index, W1, b1, W2, b2):
    ei = edge_index.astype(jnp.int32)
    pad = EPAD - ei.shape[1]
    prange = jnp.arange(pad, dtype=jnp.int32)
    row = jnp.concatenate([ei[0], prange % N])
    col = jnp.concatenate([ei[1], N + prange % (NPAD - N)])
    er128 = row.reshape(NW, EPER // 128, 128)
    ec128 = col.reshape(NW, EPER // 128, 128)

    ones_kw = jnp.ones((KDEG, DEGW), jnp.float32)
    zz16 = jnp.zeros((NPAD, DEGW), jnp.float32)
    zk128 = jnp.zeros((128, 128), jnp.float32)
    zk64 = jnp.zeros((128, 64), jnp.float32)
    b1r = b1.reshape(1, -1)
    b2r = b2.reshape(1, -1)

    degp = _deg_kernel(ec128, ones_kw, zz16)
    h1p, dinv = _tc1(degp, x, W1)
    p1 = _agg128(h1p, er128, ec128, zk128)
    h2p = _tc2(p1, h1p, dinv, b1r, W2)
    p2 = _agg64(h2p, er128, ec128, zk64)
    return _tc3(p2, h2p, dinv, b2r)

# --- scband reference (transcript-rebuilt; emitter-appended) ---
"""Pipeline reference for scband-drug-interaction-gnn-22471268892879 (READ-ONLY COPY).

The authoritative reference and input builder live on the scoring server;
editing this copy changes nothing except your own understanding.
"""

import jax, jax.numpy as jnp
import numpy as np

N_NODES = 10000


def gcn_conv(x, edge_index, W, b, n_nodes):
    row = edge_index[0]
    col = edge_index[1]
    loop = jnp.arange(n_nodes, dtype=edge_index.dtype)
    row = jnp.concatenate([row, loop])
    col = jnp.concatenate([col, loop])
    deg = jnp.zeros((n_nodes,), jnp.float32).at[col].add(1.0)
    dinv = jnp.where(deg > 0, 1.0 / jnp.sqrt(deg), 0.0)
    norm = dinv[row] * dinv[col]
    h = x @ W
    msg = h[row] * norm[:, None]
    out = jnp.zeros((n_nodes, W.shape[1]), h.dtype).at[col].add(msg)
    return out + b


def setup_inputs(seed: int = 0) -> dict:
    key = jax.random.key(seed)
    k1, k2, k3, k4, k5, k6 = jax.random.split(key, 6)
    x = jax.random.normal(k1, (N_NODES, 128), dtype=jnp.float32)
    edge_index = jax.random.randint(k2, (2, 320000), 0, N_NODES, dtype=jnp.int64)
    W1 = jax.random.normal(k3, (128, 128), dtype=jnp.float32) * (1.0 / np.sqrt(128))
    b1 = jnp.zeros((128,), jnp.float32)
    W2 = jax.random.normal(k4, (128, 64), dtype=jnp.float32) * (1.0 / np.sqrt(128))
    b2 = jnp.zeros((64,), jnp.float32)
    return {"x": x, "edge_index": edge_index, "W1": W1, "b1": b1, "W2": W2, "b2": b2}


def reference(x, edge_index, W1, b1, W2, b2):
    h = gcn_conv(x, edge_index, W1, b1, N_NODES)
    h = jax.nn.relu(h)
    # dropout p=0.2 is identity in eval mode
    h = gcn_conv(h, edge_index, W2, b2, N_NODES)
    return h

if __name__ == "__main__":
    import jax
    _d = setup_inputs()
    print(jax.jit(kernel)(*tuple(_d.values())))

</pallas_src>

<mosaic_0001>
#map = affine_map<(d0, d1) -> (0, 0, 0)>
#map1 = affine_map<(d0, d1) -> (0, 0)>
module attributes {stable_mosaic.version = 14 : i64} {
  func.func @_deg_kernel(%arg0: i32, %arg1: i32, %arg2: memref<32x80x128xi32, #tpu.memory_space<hbm>>, %arg3: memref<128x16xf32, #tpu.memory_space<hbm>>, %arg4: memref<10240x16xf32, #tpu.memory_space<hbm>>, %arg5: memref<2x10240x16xf32, #tpu.memory_space<hbm>>, %arg6: memref<80x128xi32, #tpu.memory_space<vmem>>, %arg7: memref<128x16xf32, #tpu.memory_space<vmem>>, %arg8: memref<10240x16xf32, #tpu.memory_space<vmem_shared>>) attributes {dimension_semantics = [#tpu.dimension_semantics<core_parallel>, #tpu.dimension_semantics<subcore_parallel>], iteration_bounds = array<i64: 2, 16>, scalar_prefetch = 0 : i64, scratch_operands = 3 : i64, tpu.core_type = #tpu.core_type<sc_vector_subcore>, window_params = [{transform_indices = #map}, {transform_indices = #map1}, {transform_indices = #map1}, {transform_indices = #map}]} {
    %mul3A = arith.constant 16 : i32
    %mul3A_0 = arith.muli %arg0, %mul3A : i32
    %add3A = arith.addi %mul3A_0, %arg1 : i32
    %mul3A_1 = arith.constant 640 : i32
    %mul3A_2 = arith.muli %arg1, %mul3A_1 : i32
    %mul3A_3 = arith.constant 640 : i32
    %mul3A_4 = arith.muli %arg1, %mul3A_3 : i32
    "tpu.region"() ({
      %run_scoped3A = tpu.sem_alloc : memref<!tpu.dma_semaphore, #tpu.memory_space<semaphore_mem>>
      %dma_start3A = arith.constant 0 : i32
      %dma_start3A_15 = tpu.memref_slice %arg8[%mul3A_4, %dma_start3A] : memref<10240x16xf32, #tpu.memory_space<vmem_shared>> -> memref<640x16xf32, #tpu.memory_space<vmem_shared>>
      %dma_start3A_16 = arith.constant 0 : i32
      %dma_start3A_17 = tpu.memref_slice %arg4[%mul3A_2, %dma_start3A_16] : memref<10240x16xf32, #tpu.memory_space<hbm>> -> memref<640x16xf32, #tpu.memory_space<hbm>>
      tpu.enqueue_dma source(%dma_start3A_17 : memref<640x16xf32, #tpu.memory_space<hbm>>) target(%dma_start3A_15 : memref<640x16xf32, #tpu.memory_space<vmem_shared>>) target_semaphore(%run_scoped3A : memref<!tpu.dma_semaphore, #tpu.memory_space<semaphore_mem>>)
      %dma_wait3A = arith.constant 0 : i32
      %dma_wait3A_18 = tpu.memref_slice %arg8[%mul3A_4, %dma_wait3A] : memref<10240x16xf32, #tpu.memory_space<vmem_shared>> -> memref<640x16xf32, #tpu.memory_space<vmem_shared>>
      %dma_wait3A_19 = arith.constant 0 : i32
      %dma_wait3A_20 = tpu.memref_slice %arg4[%mul3A_2, %dma_wait3A_19] : memref<10240x16xf32, #tpu.memory_space<hbm>> -> memref<640x16xf32, #tpu.memory_space<hbm>>
      tpu.wait_dma2 semaphore(%run_scoped3A : memref<!tpu.dma_semaphore, #tpu.memory_space<semaphore_mem>>) src(%dma_wait3A_20 : memref<640x16xf32, #tpu.memory_space<hbm>>) dst(%dma_wait3A_18 : memref<640x16xf32, #tpu.memory_space<vmem_shared>>)
      tpu.yield
    }) : () -> ()
    "tpu.region"() ({
      %run_scoped3A = tpu.sem_alloc : memref<!tpu.dma_semaphore, #tpu.memory_space<semaphore_mem>>
      tpu.enqueue_dma source(%arg3 : memref<128x16xf32, #tpu.memory_space<hbm>>) target(%arg7 : memref<128x16xf32, #tpu.memory_space<vmem>>) target_semaphore(%run_scoped3A : memref<!tpu.dma_semaphore, #tpu.memory_space<semaphore_mem>>)
      tpu.wait_dma2 semaphore(%run_scoped3A : memref<!tpu.dma_semaphore, #tpu.memory_space<semaphore_mem>>) src(%arg3 : memref<128x16xf32, #tpu.memory_space<hbm>>) dst(%arg7 : memref<128x16xf32, #tpu.memory_space<vmem>>)
      tpu.yield
    }) : () -> ()
    "tpu.region"() ({
      %run_scoped3A = tpu.sem_alloc : memref<!tpu.dma_semaphore, #tpu.memory_space<semaphore_mem>>
      %dma_start3A = arith.constant 0 : i32
      %dma_start3A_15 = arith.constant 0 : i32
      %dma_start3A_16 = tpu.memref_slice %arg2[%add3A, %dma_start3A, %dma_start3A_15] : memref<32x80x128xi32, #tpu.memory_space<hbm>> -> memref<1x80x128xi32, #tpu.memory_space<hbm>>
      %dma_start3A_17 = tpu.memref_squeeze %dma_start3A_16 : memref<1x80x128xi32, #tpu.memory_space<hbm>> -> memref<80x128xi32, #tpu.memory_space<hbm>>
      %dma_start3A_18 = arith.constant 0 : i32
      %dma_start3A_19 = arith.constant 0 : i32
      %dma_start3A_20 = tpu.memref_slice %arg2[%add3A, %dma_start3A_18, %dma_start3A_19] : memref<32x80x128xi32, #tpu.memory_space<hbm>> -> memref<1x80x128xi32, #tpu.memory_space<hbm>>
      %dma_start3A_21 = tpu.memref_squeeze %dma_start3A_20 : memref<1x80x128xi32, #tpu.memory_space<hbm>> -> memref<80x128xi32, #tpu.memory_space<hbm>>
      tpu.enqueue_dma source(%dma_start3A_21 : memref<80x128xi32, #tpu.memory_space<hbm>>) target(%arg6 : memref<80x128xi32, #tpu.memory_space<vmem>>) target_semaphore(%run_scoped3A : memref<!tpu.dma_semaphore, #tpu.memory_space<semaphore_mem>>)
      %dma_wait3A = arith.constant 0 : i32
      %dma_wait3A_22 = arith.constant 0 : i32
      %dma_wait3A_23 = tpu.memref_slice %arg2[%add3A, %dma_wait3A, %dma_wait3A_22] : memref<32x80x128xi32, #tpu.memory_space<hbm>> -> memref<1x80x128xi32, #tpu.memory_space<hbm>>
      %dma_wait3A_24 = tpu.memref_squeeze %dma_wait3A_23 : memref<1x80x128xi32, #tpu.memory_space<hbm>> -> memref<80x128xi32, #tpu.memory_space<hbm>>
      %dma_wait3A_25 = arith.constant 0 : i32
      %dma_wait3A_26 = arith.constant 0 : i32
      %dma_wait3A_27 = tpu.memref_slice %arg2[%add3A, %dma_wait3A_25, %dma_wait3A_26] : memref<32x80x128xi32, #tpu.memory_space<hbm>> -> memref<1x80x128xi32, #tpu.memory_space<hbm>>
      %dma_wait3A_28 = tpu.memref_squeeze %dma_wait3A_27 : memref<1x80x128xi32, #tpu.memory_space<hbm>> -> memref<80x128xi32, #tpu.memory_space<hbm>>
      tpu.wait_dma2 semaphore(%run_scoped3A : memref<!tpu.dma_semaphore, #tpu.memory_space<semaphore_mem>>) src(%dma_wait3A_28 : memref<80x128xi32, #tpu.memory_space<hbm>>) dst(%arg6 : memref<80x128xi32, #tpu.memory_space<vmem>>)
      tpu.yield
    }) : () -> ()
    %barrier3A = arith.constant 0 : index
    tpu.barrier barrier_id(%barrier3A)
    %scan3A = arith.constant 0 : i32
    %scan3A_5 = arith.constant 0 : i32
    %scan3A_6 = arith.constant 80 : i32
    %scan3A_7 = arith.addi %scan3A_5, %scan3A_6 : i32
    %scan3A_8 = arith.constant 1 : i32
    scf.for %scan3A_15 = %scan3A_5 to %scan3A_7 step %scan3A_8  : i32 {
      "tpu.region"() ({
        %run_scoped3A = tpu.sem_alloc : memref<!tpu.dma_semaphore, #tpu.memory_space<semaphore_mem>>
        %dma_start3A = arith.constant 0 : i32
        %dma_start3A_16 = tpu.memref_slice %arg6[%scan3A_15, %dma_start3A] : memref<80x128xi32, #tpu.memory_space<vmem>> -> memref<1x128xi32, #tpu.memory_space<vmem>>
        %dma_start3A_17 = tpu.memref_squeeze %dma_start3A_16 : memref<1x128xi32, #tpu.memory_space<vmem>> -> memref<128xi32, #tpu.memory_space<vmem>>
        %dma_start3A_18 = arith.constant 0 : i32
        %dma_start3A_19 = arith.constant 0 : i32
        %dma_start3A_20 = tpu.memref_slice %arg8[%dma_start3A_18, %dma_start3A_19] : memref<10240x16xf32, #tpu.memory_space<vmem_shared>> -> memref<10240x16xf32, #tpu.memory_space<vmem_shared>>
        tpu.enqueue_indirect_dma source(%arg7 : memref<128x16xf32, #tpu.memory_space<vmem>>) target(%dma_start3A_20 : memref<10240x16xf32, #tpu.memory_space<vmem_shared>>) offsets(%dma_start3A_17 : memref<128xi32, #tpu.memory_space<vmem>>) semaphore(%run_scoped3A : memref<!tpu.dma_semaphore, #tpu.memory_space<semaphore_mem>>) {add = true}
        %dma_wait3A = arith.constant 0 : i32
        %dma_wait3A_21 = tpu.memref_slice %arg6[%scan3A_15, %dma_wait3A] : memref<80x128xi32, #tpu.memory_space<vmem>> -> memref<1x128xi32, #tpu.memory_space<vmem>>
        %dma_wait3A_22 = tpu.memref_squeeze %dma_wait3A_21 : memref<1x128xi32, #tpu.memory_space<vmem>> -> memref<128xi32, #tpu.memory_space<vmem>>
        %dma_wait3A_23 = arith.constant 0 : i32
        %dma_wait3A_24 = arith.constant 0 : i32
        %dma_wait3A_25 = tpu.memref_slice %arg8[%dma_wait3A_23, %dma_wait3A_24] : memref<10240x16xf32, #tpu.memory_space<vmem_shared>> -> memref<10240x16xf32, #tpu.memory_space<vmem_shared>>
        tpu.wait_indirect_dma semaphore(%run_scoped3A : memref<!tpu.dma_semaphore, #tpu.memory_space<semaphore_mem>>) src(%arg7 : memref<128x16xf32, #tpu.memory_space<vmem>>) dst(%dma_wait3A_25 : memref<10240x16xf32, #tpu.memory_space<vmem_shared>>)
        tpu.yield
      }) : () -> ()
    }
    %scan3A_9 = arith.constant 80 : i32
    %barrier3A_10 = arith.constant 0 : index
    tpu.barrier barrier_id(%barrier3A_10)
    %mul3A_11 = arith.constant 640 : i32
    %mul3A_12 = arith.muli %arg1, %mul3A_11 : i32
    %mul3A_13 = arith.constant 640 : i32
    %mul3A_14 = arith.muli %arg1, %mul3A_13 : i32
    "tpu.region"() ({
      %run_scoped3A = tpu.sem_alloc : memref<!tpu.dma_semaphore, #tpu.memory_space<semaphore_mem>>
      %dma_start3A = arith.constant 0 : i32
      %dma_start3A_15 = tpu.memref_slice %arg5[%arg0, %mul3A_14, %dma_start3A] : memref<2x10240x16xf32, #tpu.memory_space<hbm>> -> memref<1x640x16xf32, #tpu.memory_space<hbm>>
      %dma_start3A_16 = tpu.memref_squeeze %dma_start3A_15 : memref<1x640x16xf32, #tpu.memory_space<hbm>> -> memref<640x16xf32, #tpu.memory_space<hbm>>
      %dma_start3A_17 = arith.constant 0 : i32
      %dma_start3A_18 = tpu.memref_slice %arg8[%mul3A_12, %dma_start3A_17] : memref<10240x16xf32, #tpu.memory_space<vmem_shared>> -> memref<640x16xf32, #tpu.memory_space<vmem_shared>>
      tpu.enqueue_dma source(%dma_start3A_18 : memref<640x16xf32, #tpu.memory_space<vmem_shared>>) target(%dma_start3A_16 : memref<640x16xf32, #tpu.memory_space<hbm>>) target_semaphore(%run_scoped3A : memref<!tpu.dma_semaphore, #tpu.memory_space<semaphore_mem>>)
      %dma_wait3A = arith.constant 0 : i32
      %dma_wait3A_19 = tpu.memref_slice %arg5[%arg0, %mul3A_14, %dma_wait3A] : memref<2x10240x16xf32, #tpu.memory_space<hbm>> -> memref<1x640x16xf32, #tpu.memory_space<hbm>>
      %dma_wait3A_20 = tpu.memref_squeeze %dma_wait3A_19 : memref<1x640x16xf32, #tpu.memory_space<hbm>> -> memref<640x16xf32, #tpu.memory_space<hbm>>
      %dma_wait3A_21 = arith.constant 0 : i32
      %dma_wait3A_22 = tpu.memref_slice %arg8[%mul3A_12, %dma_wait3A_21] : memref<10240x16xf32, #tpu.memory_space<vmem_shared>> -> memref<640x16xf32, #tpu.memory_space<vmem_shared>>
      tpu.wait_dma2 semaphore(%run_scoped3A : memref<!tpu.dma_semaphore, #tpu.memory_space<semaphore_mem>>) src(%dma_wait3A_22 : memref<640x16xf32, #tpu.memory_space<vmem_shared>>) dst(%dma_wait3A_20 : memref<640x16xf32, #tpu.memory_space<hbm>>)
      tpu.yield
    }) : () -> ()
    return
  }
}

#map = affine_map<(d0, d1) -> (0, 0)>
#map1 = affine_map<(d0, d1) -> (0, 0, 0)>
module attributes {stable_mosaic.version = 14 : i64} {
  func.func @agg(%arg0: i32, %arg1: i32, %arg2: memref<10000x64xf32, #tpu.memory_space<hbm>>, %arg3: memref<32x80x128xi32, #tpu.memory_space<hbm>>, %arg4: memref<32x80x128xi32, #tpu.memory_space<hbm>>, %arg5: memref<128x64xf32, #tpu.memory_space<hbm>>, %arg6: memref<2x10240x64xf32, #tpu.memory_space<hbm>>, %arg7: memref<40x128xi32, #tpu.memory_space<vmem>>, %arg8: memref<40x128xi32, #tpu.memory_space<vmem>>, %arg9: memref<128x64xf32, #tpu.memory_space<vmem>>, %arg10: memref<128x64xf32, #tpu.memory_space<vmem>>, %arg11: memref<10240x64xf32, #tpu.memory_space<vmem_shared>>, %arg12: memref<10000x64xf32, #tpu.memory_space<vmem_shared>>, %arg13: memref<!tpu.dma_semaphore, #tpu.memory_space<semaphore_mem>>, %arg14: memref<!tpu.dma_semaphore, #tpu.memory_space<semaphore_mem>>, %arg15: memref<!tpu.dma_semaphore, #tpu.memory_space<semaphore_mem>>, %arg16: memref<!tpu.dma_semaphore, #tpu.memory_space<semaphore_mem>>) attributes {dimension_semantics = [#tpu.dimension_semantics<core_parallel>, #tpu.dimension_semantics<subcore_parallel>], iteration_bounds = array<i64: 2, 16>, scalar_prefetch = 0 : i64, scratch_operands = 10 : i64, tpu.core_type = #tpu.core_type<sc_vector_subcore>, window_params = [{transform_indices = #map}, {transform_indices = #map1}, {transform_indices = #map1}, {transform_indices = #map}, {transform_indices = #map1}]} {
    %mul3A = arith.constant 16 : i32
    %mul3A_0 = arith.muli %arg0, %mul3A : i32
    %add3A = arith.addi %mul3A_0, %arg1 : i32
    "tpu.region"() ({
      %run_scoped3A = tpu.sem_alloc : memref<!tpu.dma_semaphore, #tpu.memory_space<semaphore_mem>>
      tpu.enqueue_dma source(%arg5 : memref<128x64xf32, #tpu.memory_space<hbm>>) target(%arg9 : memref<128x64xf32, #tpu.memory_space<vmem>>) target_semaphore(%run_scoped3A : memref<!tpu.dma_semaphore, #tpu.memory_space<semaphore_mem>>)
      tpu.wait_dma2 semaphore(%run_scoped3A : memref<!tpu.dma_semaphore, #tpu.memory_space<semaphore_mem>>) src(%arg5 : memref<128x64xf32, #tpu.memory_space<hbm>>) dst(%arg9 : memref<128x64xf32, #tpu.memory_space<vmem>>)
      tpu.yield
    }) : () -> ()
    %mul3A_1 = arith.constant 640 : i32
    %mul3A_2 = arith.muli %arg1, %mul3A_1 : i32
    %add3A_3 = arith.constant 0 : i32
    %add3A_4 = arith.addi %mul3A_2, %add3A_3 : i32
    "tpu.region"() ({
      %run_scoped3A = tpu.sem_alloc : memref<!tpu.dma_semaphore, #tpu.memory_space<semaphore_mem>>
      %dma_start3A_67 = arith.constant 0 : i32
      %dma_start3A_68 = tpu.memref_slice %arg11[%add3A_4, %dma_start3A_67] : memref<10240x64xf32, #tpu.memory_space<vmem_shared>> -> memref<128x64xf32, #tpu.memory_space<vmem_shared>>
      %dma_start3A_69 = arith.constant 0 : i32
      %dma_start3A_70 = tpu.memref_slice %arg11[%add3A_4, %dma_start3A_69] : memref<10240x64xf32, #tpu.memory_space<vmem_shared>> -> memref<128x64xf32, #tpu.memory_space<vmem_shared>>
      tpu.enqueue_dma source(%arg9 : memref<128x64xf32, #tpu.memory_space<vmem>>) target(%dma_start3A_70 : memref<128x64xf32, #tpu.memory_space<vmem_shared>>) target_semaphore(%run_scoped3A : memref<!tpu.dma_semaphore, #tpu.memory_space<semaphore_mem>>)
      %dma_wait3A_71 = arith.constant 0 : i32
      %dma_wait3A_72 = tpu.memref_slice %arg11[%add3A_4, %dma_wait3A_71] : memref<10240x64xf32, #tpu.memory_space<vmem_shared>> -> memref<128x64xf32, #tpu.memory_space<vmem_shared>>
      %dma_wait3A_73 = arith.constant 0 : i32
      %dma_wait3A_74 = tpu.memref_slice %arg11[%add3A_4, %dma_wait3A_73] : memref<10240x64xf32, #tpu.memory_space<vmem_shared>> -> memref<128x64xf32, #tpu.memory_space<vmem_shared>>
      tpu.wait_dma2 semaphore(%run_scoped3A : memref<!tpu.dma_semaphore, #tpu.memory_space<semaphore_mem>>) src(%arg9 : memref<128x64xf32, #tpu.memory_space<vmem>>) dst(%dma_wait3A_74 : memref<128x64xf32, #tpu.memory_space<vmem_shared>>)
      tpu.yield
    }) : () -> ()
    %mul3A_5 = arith.constant 640 : i32
    %mul3A_6 = arith.muli %arg1, %mul3A_5 : i32
    %add3A_7 = arith.constant 128 : i32
    %add3A_8 = arith.addi %mul3A_6, %add3A_7 : i32
    "tpu.region"() ({
      %run_scoped3A = tpu.sem_alloc : memref<!tpu.dma_semaphore, #tpu.memory_space<semaphore_mem>>
      %dma_start3A_67 = arith.constant 0 : i32
      %dma_start3A_68 = tpu.memref_slice %arg11[%add3A_8, %dma_start3A_67] : memref<10240x64xf32, #tpu.memory_space<vmem_shared>> -> memref<128x64xf32, #tpu.memory_space<vmem_shared>>
      %dma_start3A_69 = arith.constant 0 : i32
      %dma_start3A_70 = tpu.memref_slice %arg11[%add3A_8, %dma_start3A_69] : memref<10240x64xf32, #tpu.memory_space<vmem_shared>> -> memref<128x64xf32, #tpu.memory_space<vmem_shared>>
      tpu.enqueue_dma source(%arg9 : memref<128x64xf32, #tpu.memory_space<vmem>>) target(%dma_start3A_70 : memref<128x64xf32, #tpu.memory_space<vmem_shared>>) target_semaphore(%run_scoped3A : memref<!tpu.dma_semaphore, #tpu.memory_space<semaphore_mem>>)
      %dma_wait3A_71 = arith.constant 0 : i32
      %dma_wait3A_72 = tpu.memref_slice %arg11[%add3A_8, %dma_wait3A_71] : memref<10240x64xf32, #tpu.memory_space<vmem_shared>> -> memref<128x64xf32, #tpu.memory_space<vmem_shared>>
      %dma_wait3A_73 = arith.constant 0 : i32
      %dma_wait3A_74 = tpu.memref_slice %arg11[%add3A_8, %dma_wait3A_73] : memref<10240x64xf32, #tpu.memory_space<vmem_shared>> -> memref<128x64xf32, #tpu.memory_space<vmem_shared>>
      tpu.wait_dma2 semaphore(%run_scoped3A : memref<!tpu.dma_semaphore, #tpu.memory_space<semaphore_mem>>) src(%arg9 : memref<128x64xf32, #tpu.memory_space<vmem>>) dst(%dma_wait3A_74 : memref<128x64xf32, #tpu.memory_space<vmem_shared>>)
      tpu.yield
    }) : () -> ()
    %mul3A_9 = arith.constant 640 : i32
    %mul3A_10 = arith.muli %arg1, %mul3A_9 : i32
    %add3A_11 = arith.constant 256 : i32
    %add3A_12 = arith.addi %mul3A_10, %add3A_11 : i32
    "tpu.region"() ({
      %run_scoped3A = tpu.sem_alloc : memref<!tpu.dma_semaphore, #tpu.memory_space<semaphore_mem>>
      %dma_start3A_67 = arith.constant 0 : i32
      %dma_start3A_68 = tpu.memref_slice %arg11[%add3A_12, %dma_start3A_67] : memref<10240x64xf32, #tpu.memory_space<vmem_shared>> -> memref<128x64xf32, #tpu.memory_space<vmem_shared>>
      %dma_start3A_69 = arith.constant 0 : i32
      %dma_start3A_70 = tpu.memref_slice %arg11[%add3A_12, %dma_start3A_69] : memref<10240x64xf32, #tpu.memory_space<vmem_shared>> -> memref<128x64xf32, #tpu.memory_space<vmem_shared>>
      tpu.enqueue_dma source(%arg9 : memref<128x64xf32, #tpu.memory_space<vmem>>) target(%dma_start3A_70 : memref<128x64xf32, #tpu.memory_space<vmem_shared>>) target_semaphore(%run_scoped3A : memref<!tpu.dma_semaphore, #tpu.memory_space<semaphore_mem>>)
      %dma_wait3A_71 = arith.constant 0 : i32
      %dma_wait3A_72 = tpu.memref_slice %arg11[%add3A_12, %dma_wait3A_71] : memref<10240x64xf32, #tpu.memory_space<vmem_shared>> -> memref<128x64xf32, #tpu.memory_space<vmem_shared>>
      %dma_wait3A_73 = arith.constant 0 : i32
      %dma_wait3A_74 = tpu.memref_slice %arg11[%add3A_12, %dma_wait3A_73] : memref<10240x64xf32, #tpu.memory_space<vmem_shared>> -> memref<128x64xf32, #tpu.memory_space<vmem_shared>>
      tpu.wait_dma2 semaphore(%run_scoped3A : memref<!tpu.dma_semaphore, #tpu.memory_space<semaphore_mem>>) src(%arg9 : memref<128x64xf32, #tpu.memory_space<vmem>>) dst(%dma_wait3A_74 : memref<128x64xf32, #tpu.memory_space<vmem_shared>>)
      tpu.yield
    }) : () -> ()
    %mul3A_13 = arith.constant 640 : i32
    %mul3A_14 = arith.muli %arg1, %mul3A_13 : i32
    %add3A_15 = arith.constant 384 : i32
    %add3A_16 = arith.addi %mul3A_14, %add3A_15 : i32
    "tpu.region"() ({
      %run_scoped3A = tpu.sem_alloc : memref<!tpu.dma_semaphore, #tpu.memory_space<semaphore_mem>>
      %dma_start3A_67 = arith.constant 0 : i32
      %dma_start3A_68 = tpu.memref_slice %arg11[%add3A_16, %dma_start3A_67] : memref<10240x64xf32, #tpu.memory_space<vmem_shared>> -> memref<128x64xf32, #tpu.memory_space<vmem_shared>>
      %dma_start3A_69 = arith.constant 0 : i32
      %dma_start3A_70 = tpu.memref_slice %arg11[%add3A_16, %dma_start3A_69] : memref<10240x64xf32, #tpu.memory_space<vmem_shared>> -> memref<128x64xf32, #tpu.memory_space<vmem_shared>>
      tpu.enqueue_dma source(%arg9 : memref<128x64xf32, #tpu.memory_space<vmem>>) target(%dma_start3A_70 : memref<128x64xf32, #tpu.memory_space<vmem_shared>>) target_semaphore(%run_scoped3A : memref<!tpu.dma_semaphore, #tpu.memory_space<semaphore_mem>>)
      %dma_wait3A_71 = arith.constant 0 : i32
      %dma_wait3A_72 = tpu.memref_slice %arg11[%add3A_16, %dma_wait3A_71] : memref<10240x64xf32, #tpu.memory_space<vmem_shared>> -> memref<128x64xf32, #tpu.memory_space<vmem_shared>>
      %dma_wait3A_73 = arith.constant 0 : i32
      %dma_wait3A_74 = tpu.memref_slice %arg11[%add3A_16, %dma_wait3A_73] : memref<10240x64xf32, #tpu.memory_space<vmem_shared>> -> memref<128x64xf32, #tpu.memory_space<vmem_shared>>
      tpu.wait_dma2 semaphore(%run_scoped3A : memref<!tpu.dma_semaphore, #tpu.memory_space<semaphore_mem>>) src(%arg9 : memref<128x64xf32, #tpu.memory_space<vmem>>) dst(%dma_wait3A_74 : memref<128x64xf32, #tpu.memory_space<vmem_shared>>)
      tpu.yield
    }) : () -> ()
    %mul3A_17 = arith.constant 640 : i32
    %mul3A_18 = arith.muli %arg1, %mul3A_17 : i32
    %add3A_19 = arith.constant 512 : i32
    %add3A_20 = arith.addi %mul3A_18, %add3A_19 : i32
    "tpu.region"() ({
      %run_scoped3A = tpu.sem_alloc : memref<!tpu.dma_semaphore, #tpu.memory_space<semaphore_mem>>
      %dma_start3A_67 = arith.constant 0 : i32
      %dma_start3A_68 = tpu.memref_slice %arg11[%add3A_20, %dma_start3A_67] : memref<10240x64xf32, #tpu.memory_space<vmem_shared>> -> memref<128x64xf32, #tpu.memory_space<vmem_shared>>
      %dma_start3A_69 = arith.constant 0 : i32
      %dma_start3A_70 = tpu.memref_slice %arg11[%add3A_20, %dma_start3A_69] : memref<10240x64xf32, #tpu.memory_space<vmem_shared>> -> memref<128x64xf32, #tpu.memory_space<vmem_shared>>
      tpu.enqueue_dma source(%arg9 : memref<128x64xf32, #tpu.memory_space<vmem>>) target(%dma_start3A_70 : memref<128x64xf32, #tpu.memory_space<vmem_shared>>) target_semaphore(%run_scoped3A : memref<!tpu.dma_semaphore, #tpu.memory_space<semaphore_mem>>)
      %dma_wait3A_71 = arith.constant 0 : i32
      %dma_wait3A_72 = tpu.memref_slice %arg11[%add3A_20, %dma_wait3A_71] : memref<10240x64xf32, #tpu.memory_space<vmem_shared>> -> memref<128x64xf32, #tpu.memory_space<vmem_shared>>
      %dma_wait3A_73 = arith.constant 0 : i32
      %dma_wait3A_74 = tpu.memref_slice %arg11[%add3A_20, %dma_wait3A_73] : memref<10240x64xf32, #tpu.memory_space<vmem_shared>> -> memref<128x64xf32, #tpu.memory_space<vmem_shared>>
      tpu.wait_dma2 semaphore(%run_scoped3A : memref<!tpu.dma_semaphore, #tpu.memory_space<semaphore_mem>>) src(%arg9 : memref<128x64xf32, #tpu.memory_space<vmem>>) dst(%dma_wait3A_74 : memref<128x64xf32, #tpu.memory_space<vmem_shared>>)
      tpu.yield
    }) : () -> ()
    %mul3A_21 = arith.constant 625 : i32
    %mul3A_22 = arith.muli %arg1, %mul3A_21 : i32
    %mul3A_23 = arith.constant 625 : i32
    %mul3A_24 = arith.muli %arg1, %mul3A_23 : i32
    "tpu.region"() ({
      %run_scoped3A = tpu.sem_alloc : memref<!tpu.dma_semaphore, #tpu.memory_space<semaphore_mem>>
      %dma_start3A_67 = arith.constant 0 : i32
      %dma_start3A_68 = tpu.memref_slice %arg12[%mul3A_24, %dma_start3A_67] : memref<10000x64xf32, #tpu.memory_space<vmem_shared>> -> memref<625x64xf32, #tpu.memory_space<vmem_shared>>
      %dma_start3A_69 = arith.constant 0 : i32
      %dma_start3A_70 = tpu.memref_slice %arg2[%mul3A_22, %dma_start3A_69] : memref<10000x64xf32, #tpu.memory_space<hbm>> -> memref<625x64xf32, #tpu.memory_space<hbm>>
      tpu.enqueue_dma source(%dma_start3A_70 : memref<625x64xf32, #tpu.memory_space<hbm>>) target(%dma_start3A_68 : memref<625x64xf32, #tpu.memory_space<vmem_shared>>) target_semaphore(%run_scoped3A : memref<!tpu.dma_semaphore, #tpu.memory_space<semaphore_mem>>)
      %dma_wait3A_71 = arith.constant 0 : i32
      %dma_wait3A_72 = tpu.memref_slice %arg12[%mul3A_24, %dma_wait3A_71] : memref<10000x64xf32, #tpu.memory_space<vmem_shared>> -> memref<625x64xf32, #tpu.memory_space<vmem_shared>>
      %dma_wait3A_73 = arith.constant 0 : i32
      %dma_wait3A_74 = tpu.memref_slice %arg2[%mul3A_22, %dma_wait3A_73] : memref<10000x64xf32, #tpu.memory_space<hbm>> -> memref<625x64xf32, #tpu.memory_space<hbm>>
      tpu.wait_dma2 semaphore(%run_scoped3A : memref<!tpu.dma_semaphore, #tpu.memory_space<semaphore_mem>>) src(%dma_wait3A_74 : memref<625x64xf32, #tpu.memory_space<hbm>>) dst(%dma_wait3A_72 : memref<625x64xf32, #tpu.memory_space<vmem_shared>>)
      tpu.yield
    }) : () -> ()
    %barrier3A = arith.constant 0 : index
    tpu.barrier barrier_id(%barrier3A)
    "tpu.region"() ({
      %run_scoped3A = tpu.sem_alloc : memref<!tpu.dma_semaphore, #tpu.memory_space<semaphore_mem>>
      %dma_start3A_67 = arith.constant 0 : i32
      %dma_start3A_68 = arith.constant 0 : i32
      %dma_start3A_69 = tpu.memref_slice %arg3[%add3A, %dma_start3A_67, %dma_start3A_68] : memref<32x80x128xi32, #tpu.memory_space<hbm>> -> memref<1x40x128xi32, #tpu.memory_space<hbm>>
      %dma_start3A_70 = tpu.memref_squeeze %dma_start3A_69 : memref<1x40x128xi32, #tpu.memory_space<hbm>> -> memref<40x128xi32, #tpu.memory_space<hbm>>
      %dma_start3A_71 = arith.constant 0 : i32
      %dma_start3A_72 = arith.constant 0 : i32
      %dma_start3A_73 = tpu.memref_slice %arg3[%add3A, %dma_start3A_71, %dma_start3A_72] : memref<32x80x128xi32, #tpu.memory_space<hbm>> -> memref<1x40x128xi32, #tpu.memory_space<hbm>>
      %dma_start3A_74 = tpu.memref_squeeze %dma_start3A_73 : memref<1x40x128xi32, #tpu.memory_space<hbm>> -> memref<40x128xi32, #tpu.memory_space<hbm>>
      tpu.enqueue_dma source(%dma_start3A_74 : memref<40x128xi32, #tpu.memory_space<hbm>>) target(%arg7 : memref<40x128xi32, #tpu.memory_space<vmem>>) target_semaphore(%run_scoped3A : memref<!tpu.dma_semaphore, #tpu.memory_space<semaphore_mem>>)
      %dma_wait3A_75 = arith.constant 0 : i32
      %dma_wait3A_76 = arith.constant 0 : i32
      %dma_wait3A_77 = tpu.memref_slice %arg3[%add3A, %dma_wait3A_75, %dma_wait3A_76] : memref<32x80x128xi32, #tpu.memory_space<hbm>> -> memref<1x40x128xi32, #tpu.memory_space<hbm>>
      %dma_wait3A_78 = tpu.memref_squeeze %dma_wait3A_77 : memref<1x40x128xi32, #tpu.memory_space<hbm>> -> memref<40x128xi32, #tpu.memory_space<hbm>>
      %dma_wait3A_79 = arith.constant 0 : i32
      %dma_wait3A_80 = arith.constant 0 : i32
      %dma_wait3A_81 = tpu.memref_slice %arg3[%add3A, %dma_wait3A_79, %dma_wait3A_80] : memref<32x80x128xi32, #tpu.memory_space<hbm>> -> memref<1x40x128xi32, #tpu.memory_space<hbm>>
      %dma_wait3A_82 = tpu.memref_squeeze %dma_wait3A_81 : memref<1x40x128xi32, #tpu.memory_space<hbm>> -> memref<40x128xi32, #tpu.memory_space<hbm>>
      tpu.wait_dma2 semaphore(%run_scoped3A : memref<!tpu.dma_semaphore, #tpu.memory_space<semaphore_mem>>) src(%dma_wait3A_82 : memref<40x128xi32, #tpu.memory_space<hbm>>) dst(%arg7 : memref<40x128xi32, #tpu.memory_space<vmem>>)
      tpu.yield
    }) : () -> ()
    "tpu.region"() ({
      %run_scoped3A = tpu.sem_alloc : memref<!tpu.dma_semaphore, #tpu.memory_space<semaphore_mem>>
      %dma_start3A_67 = arith.constant 0 : i32
      %dma_start3A_68 = arith.constant 0 : i32
      %dma_start3A_69 = tpu.memref_slice %arg4[%add3A, %dma_start3A_67, %dma_start3A_68] : memref<32x80x128xi32, #tpu.memory_space<hbm>> -> memref<1x40x128xi32, #tpu.memory_space<hbm>>
      %dma_start3A_70 = tpu.memref_squeeze %dma_start3A_69 : memref<1x40x128xi32, #tpu.memory_space<hbm>> -> memref<40x128xi32, #tpu.memory_space<hbm>>
      %dma_start3A_71 = arith.constant 0 : i32
      %dma_start3A_72 = arith.constant 0 : i32
      %dma_start3A_73 = tpu.memref_slice %arg4[%add3A, %dma_start3A_71, %dma_start3A_72] : memref<32x80x128xi32, #tpu.memory_space<hbm>> -> memref<1x40x128xi32, #tpu.memory_space<hbm>>
      %dma_start3A_74 = tpu.memref_squeeze %dma_start3A_73 : memref<1x40x128xi32, #tpu.memory_space<hbm>> -> memref<40x128xi32, #tpu.memory_space<hbm>>
      tpu.enqueue_dma source(%dma_start3A_74 : memref<40x128xi32, #tpu.memory_space<hbm>>) target(%arg8 : memref<40x128xi32, #tpu.memory_space<vmem>>) target_semaphore(%run_scoped3A : memref<!tpu.dma_semaphore, #tpu.memory_space<semaphore_mem>>)
      %dma_wait3A_75 = arith.constant 0 : i32
      %dma_wait3A_76 = arith.constant 0 : i32
      %dma_wait3A_77 = tpu.memref_slice %arg4[%add3A, %dma_wait3A_75, %dma_wait3A_76] : memref<32x80x128xi32, #tpu.memory_space<hbm>> -> memref<1x40x128xi32, #tpu.memory_space<hbm>>
      %dma_wait3A_78 = tpu.memref_squeeze %dma_wait3A_77 : memref<1x40x128xi32, #tpu.memory_space<hbm>> -> memref<40x128xi32, #tpu.memory_space<hbm>>
      %dma_wait3A_79 = arith.constant 0 : i32
      %dma_wait3A_80 = arith.constant 0 : i32
      %dma_wait3A_81 = tpu.memref_slice %arg4[%add3A, %dma_wait3A_79, %dma_wait3A_80] : memref<32x80x128xi32, #tpu.memory_space<hbm>> -> memref<1x40x128xi32, #tpu.memory_space<hbm>>
      %dma_wait3A_82 = tpu.memref_squeeze %dma_wait3A_81 : memref<1x40x128xi32, #tpu.memory_space<hbm>> -> memref<40x128xi32, #tpu.memory_space<hbm>>
      tpu.wait_dma2 semaphore(%run_scoped3A : memref<!tpu.dma_semaphore, #tpu.memory_space<semaphore_mem>>) src(%dma_wait3A_82 : memref<40x128xi32, #tpu.memory_space<hbm>>) dst(%arg8 : memref<40x128xi32, #tpu.memory_space<vmem>>)
      tpu.yield
    }) : () -> ()
    %dma_start3A = arith.constant 0 : i32
    %dma_start3A_25 = arith.constant 0 : i32
    %dma_start3A_26 = tpu.memref_slice %arg7[%dma_start3A, %dma_start3A_25] : memref<40x128xi32, #tpu.memory_space<vmem>> -> memref<1x128xi32, #tpu.memory_space<vmem>>
    %dma_start3A_27 = tpu.memref_squeeze %dma_start3A_26 : memref<1x128xi32, #tpu.memory_space<vmem>> -> memref<128xi32, #tpu.memory_space<vmem>>
    %dma_start3A_28 = arith.constant 0 : i32
    %dma_start3A_29 = arith.constant 0 : i32
    %dma_start3A_30 = tpu.memref_slice %arg12[%dma_start3A_28, %dma_start3A_29] : memref<10000x64xf32, #tpu.memory_space<vmem_shared>> -> memref<10000x64xf32, #tpu.memory_space<vmem_shared>>
    tpu.enqueue_indirect_dma source(%dma_start3A_30 : memref<10000x64xf32, #tpu.memory_space<vmem_shared>>) target(%arg9 : memref<128x64xf32, #tpu.memory_space<vmem>>) offsets(%dma_start3A_27 : memref<128xi32, #tpu.memory_space<vmem>>) semaphore(%arg13 : memref<!tpu.dma_semaphore, #tpu.memory_space<semaphore_mem>>)
    %scan3A = arith.constant 0 : i32
    %scan3A_31 = arith.constant 0 : i32
    %scan3A_32 = arith.constant 20 : i32
    %scan3A_33 = arith.addi %scan3A_31, %scan3A_32 : i32
    %scan3A_34 = arith.constant 1 : i32
    scf.for %scan3A_67 = %scan3A_31 to %scan3A_33 step %scan3A_34  : i32 {
      %mul3A_68 = arith.constant 2 : i32
      %mul3A_69 = arith.muli %mul3A_68, %scan3A_67 : i32
      %mul3A_70 = arith.constant 2 : i32
      %mul3A_71 = arith.muli %mul3A_70, %scan3A_67 : i32
      %add3A_72 = arith.constant 1 : i32
      %add3A_73 = arith.addi %mul3A_71, %add3A_72 : i32
      %dma_wait3A_74 = arith.constant 0 : i32
      %dma_wait3A_75 = tpu.memref_slice %arg7[%mul3A_69, %dma_wait3A_74] : memref<40x128xi32, #tpu.memory_space<vmem>> -> memref<1x128xi32, #tpu.memory_space<vmem>>
      %dma_wait3A_76 = tpu.memref_squeeze %dma_wait3A_75 : memref<1x128xi32, #tpu.memory_space<vmem>> -> memref<128xi32, #tpu.memory_space<vmem>>
      %dma_wait3A_77 = arith.constant 0 : i32
      %dma_wait3A_78 = arith.constant 0 : i32
      %dma_wait3A_79 = tpu.memref_slice %arg12[%dma_wait3A_77, %dma_wait3A_78] : memref<10000x64xf32, #tpu.memory_space<vmem_shared>> -> memref<10000x64xf32, #tpu.memory_space<vmem_shared>>
      tpu.wait_indirect_dma semaphore(%arg13 : memref<!tpu.dma_semaphore, #tpu.memory_space<semaphore_mem>>) src(%dma_wait3A_79 : memref<10000x64xf32, #tpu.memory_space<vmem_shared>>) dst(%arg9 : memref<128x64xf32, #tpu.memory_space<vmem>>)
      %dma_start3A_80 = arith.constant 0 : i32
      %dma_start3A_81 = tpu.memref_slice %arg8[%mul3A_69, %dma_start3A_80] : memref<40x128xi32, #tpu.memory_space<vmem>> -> memref<1x128xi32, #tpu.memory_space<vmem>>
      %dma_start3A_82 = tpu.memref_squeeze %dma_start3A_81 : memref<1x128xi32, #tpu.memory_space<vmem>> -> memref<128xi32, #tpu.memory_space<vmem>>
      %dma_start3A_83 = arith.constant 0 : i32
      %dma_start3A_84 = arith.constant 0 : i32
      %dma_start3A_85 = tpu.memref_slice %arg11[%dma_start3A_83, %dma_start3A_84] : memref<10240x64xf32, #tpu.memory_space<vmem_shared>> -> memref<10240x64xf32, #tpu.memory_space<vmem_shared>>
      tpu.enqueue_indirect_dma source(%arg9 : memref<128x64xf32, #tpu.memory_space<vmem>>) target(%dma_start3A_85 : memref<10240x64xf32, #tpu.memory_space<vmem_shared>>) offsets(%dma_start3A_82 : memref<128xi32, #tpu.memory_space<vmem>>) semaphore(%arg15 : memref<!tpu.dma_semaphore, #tpu.memory_space<semaphore_mem>>) {add = true}
      %gt3A = arith.constant 0 : i32
      %gt3A_86 = arith.cmpi sgt, %scan3A_67, %gt3A : i32
      %convert_element_type3A = arith.extui %gt3A_86 : i1 to i32
      %cond3A = arith.constant 0 : i32
      %cond3A_87 = arith.cmpi ne, %convert_element_type3A, %cond3A : i32
      scf.if %cond3A_87 {
        %sub3A = arith.constant 2 : i32
        %sub3A_118 = arith.subi %add3A_73, %sub3A : i32
        %dma_wait3A_119 = arith.constant 0 : i32
        %dma_wait3A_120 = tpu.memref_slice %arg8[%sub3A_118, %dma_wait3A_119] : memref<40x128xi32, #tpu.memory_space<vmem>> -> memref<1x128xi32, #tpu.memory_space<vmem>>
        %dma_wait3A_121 = tpu.memref_squeeze %dma_wait3A_120 : memref<1x128xi32, #tpu.memory_space<vmem>> -> memref<128xi32, #tpu.memory_space<vmem>>
        %dma_wait3A_122 = arith.constant 0 : i32
        %dma_wait3A_123 = arith.constant 0 : i32
        %dma_wait3A_124 = tpu.memref_slice %arg11[%dma_wait3A_122, %dma_wait3A_123] : memref<10240x64xf32, #tpu.memory_space<vmem_shared>> -> memref<10240x64xf32, #tpu.memory_space<vmem_shared>>
        tpu.wait_indirect_dma semaphore(%arg16 : memref<!tpu.dma_semaphore, #tpu.memory_space<semaphore_mem>>) src(%arg10 : memref<128x64xf32, #tpu.memory_space<vmem>>) dst(%dma_wait3A_124 : memref<10240x64xf32, #tpu.memory_space<vmem_shared>>)
      } else {
      }
      %dma_start3A_88 = arith.constant 0 : i32
      %dma_start3A_89 = tpu.memref_slice %arg7[%add3A_73, %dma_start3A_88] : memref<40x128xi32, #tpu.memory_space<vmem>> -> memref<1x128xi32, #tpu.memory_space<vmem>>
      %dma_start3A_90 = tpu.memref_squeeze %dma_start3A_89 : memref<1x128xi32, #tpu.memory_space<vmem>> -> memref<128xi32, #tpu.memory_space<vmem>>
      %dma_start3A_91 = arith.constant 0 : i32
      %dma_start3A_92 = arith.constant 0 : i32
      %dma_start3A_93 = tpu.memref_slice %arg12[%dma_start3A_91, %dma_start3A_92] : memref<10000x64xf32, #tpu.memory_space<vmem_shared>> -> memref<10000x64xf32, #tpu.memory_space<vmem_shared>>
      tpu.enqueue_indirect_dma source(%dma_start3A_93 : memref<10000x64xf32, #tpu.memory_space<vmem_shared>>) target(%arg10 : memref<128x64xf32, #tpu.memory_space<vmem>>) offsets(%dma_start3A_90 : memref<128xi32, #tpu.memory_space<vmem>>) semaphore(%arg14 : memref<!tpu.dma_semaphore, #tpu.memory_space<semaphore_mem>>)
      %dma_wait3A_94 = arith.constant 0 : i32
      %dma_wait3A_95 = tpu.memref_slice %arg7[%add3A_73, %dma_wait3A_94] : memref<40x128xi32, #tpu.memory_space<vmem>> -> memref<1x128xi32, #tpu.memory_space<vmem>>
      %dma_wait3A_96 = tpu.memref_squeeze %dma_wait3A_95 : memref<1x128xi32, #tpu.memory_space<vmem>> -> memref<128xi32, #tpu.memory_space<vmem>>
      %dma_wait3A_97 = arith.constant 0 : i32
      %dma_wait3A_98 = arith.constant 0 : i32
      %dma_wait3A_99 = tpu.memref_slice %arg12[%dma_wait3A_97, %dma_wait3A_98] : memref<10000x64xf32, #tpu.memory_space<vmem_shared>> -> memref<10000x64xf32, #tpu.memory_space<vmem_shared>>
      tpu.wait_indirect_dma semaphore(%arg14 : memref<!tpu.dma_semaphore, #tpu.memory_space<semaphore_mem>>) src(%dma_wait3A_99 : memref<10000x64xf32, #tpu.memory_space<vmem_shared>>) dst(%arg10 : memref<128x64xf32, #tpu.memory_space<vmem>>)
      %dma_start3A_100 = arith.constant 0 : i32
      %dma_start3A_101 = tpu.memref_slice %arg8[%add3A_73, %dma_start3A_100] : memref<40x128xi32, #tpu.memory_space<vmem>> -> memref<1x128xi32, #tpu.memory_space<vmem>>
      %dma_start3A_102 = tpu.memref_squeeze %dma_start3A_101 : memref<1x128xi32, #tpu.memory_space<vmem>> -> memref<128xi32, #tpu.memory_space<vmem>>
      %dma_start3A_103 = arith.constant 0 : i32
      %dma_start3A_104 = arith.constant 0 : i32
      %dma_start3A_105 = tpu.memref_slice %arg11[%dma_start3A_103, %dma_start3A_104] : memref<10240x64xf32, #tpu.memory_space<vmem_shared>> -> memref<10240x64xf32, #tpu.memory_space<vmem_shared>>
      tpu.enqueue_indirect_dma source(%arg10 : memref<128x64xf32, #tpu.memory_space<vmem>>) target(%dma_start3A_105 : memref<10240x64xf32, #tpu.memory_space<vmem_shared>>) offsets(%dma_start3A_102 : memref<128xi32, #tpu.memory_space<vmem>>) semaphore(%arg16 : memref<!tpu.dma_semaphore, #tpu.memory_space<semaphore_mem>>) {add = true}
      %dma_wait3A_106 = arith.constant 0 : i32
      %dma_wait3A_107 = tpu.memref_slice %arg8[%mul3A_69, %dma_wait3A_106] : memref<40x128xi32, #tpu.memory_space<vmem>> -> memref<1x128xi32, #tpu.memory_space<vmem>>
      %dma_wait3A_108 = tpu.memref_squeeze %dma_wait3A_107 : memref<1x128xi32, #tpu.memory_space<vmem>> -> memref<128xi32, #tpu.memory_space<vmem>>
      %dma_wait3A_109 = arith.constant 0 : i32
      %dma_wait3A_110 = arith.constant 0 : i32
      %dma_wait3A_111 = tpu.memref_slice %arg11[%dma_wait3A_109, %dma_wait3A_110] : memref<10240x64xf32, #tpu.memory_space<vmem_shared>> -> memref<10240x64xf32, #tpu.memory_space<vmem_shared>>
      tpu.wait_indirect_dma semaphore(%arg15 : memref<!tpu.dma_semaphore, #tpu.memory_space<semaphore_mem>>) src(%arg9 : memref<128x64xf32, #tpu.memory_space<vmem>>) dst(%dma_wait3A_111 : memref<10240x64xf32, #tpu.memory_space<vmem_shared>>)
      %add3A_112 = arith.constant 2 : i32
      %add3A_113 = arith.addi %mul3A_69, %add3A_112 : i32
      %lt3A = arith.constant 40 : i32
      %lt3A_114 = arith.cmpi slt, %add3A_113, %lt3A : i32
      %convert_element_type3A_115 = arith.extui %lt3A_114 : i1 to i32
      %cond3A_116 = arith.constant 0 : i32
      %cond3A_117 = arith.cmpi ne, %convert_element_type3A_115, %cond3A_116 : i32
      scf.if %cond3A_117 {
        %add3A_118 = arith.constant 2 : i32
        %add3A_119 = arith.addi %mul3A_69, %add3A_118 : i32
        %dma_start3A_120 = arith.constant 0 : i32
        %dma_start3A_121 = tpu.memref_slice %arg7[%add3A_119, %dma_start3A_120] : memref<40x128xi32, #tpu.memory_space<vmem>> -> memref<1x128xi32, #tpu.memory_space<vmem>>
        %dma_start3A_122 = tpu.memref_squeeze %dma_start3A_121 : memref<1x128xi32, #tpu.memory_space<vmem>> -> memref<128xi32, #tpu.memory_space<vmem>>
        %dma_start3A_123 = arith.constant 0 : i32
        %dma_start3A_124 = arith.constant 0 : i32
        %dma_start3A_125 = tpu.memref_slice %arg12[%dma_start3A_123, %dma_start3A_124] : memref<10000x64xf32, #tpu.memory_space<vmem_shared>> -> memref<10000x64xf32, #tpu.memory_space<vmem_shared>>
        tpu.enqueue_indirect_dma source(%dma_start3A_125 : memref<10000x64xf32, #tpu.memory_space<vmem_shared>>) target(%arg9 : memref<128x64xf32, #tpu.memory_space<vmem>>) offsets(%dma_start3A_122 : memref<128xi32, #tpu.memory_space<vmem>>) semaphore(%arg13 : memref<!tpu.dma_semaphore, #tpu.memory_space<semaphore_mem>>)
      } else {
      }
    }
    %scan3A_35 = arith.constant 20 : i32
    %dma_wait3A = arith.constant 39 : i32
    %dma_wait3A_36 = arith.constant 0 : i32
    %dma_wait3A_37 = tpu.memref_slice %arg8[%dma_wait3A, %dma_wait3A_36] : memref<40x128xi32, #tpu.memory_space<vmem>> -> memref<1x128xi32, #tpu.memory_space<vmem>>
    %dma_wait3A_38 = tpu.memref_squeeze %dma_wait3A_37 : memref<1x128xi32, #tpu.memory_space<vmem>> -> memref<128xi32, #tpu.memory_space<vmem>>
    %dma_wait3A_39 = arith.constant 0 : i32
    %dma_wait3A_40 = arith.constant 0 : i32
    %dma_wait3A_41 = tpu.memref_slice %arg11[%dma_wait3A_39, %dma_wait3A_40] : memref<10240x64xf32, #tpu.memory_space<vmem_shared>> -> memref<10240x64xf32, #tpu.memory_space<vmem_shared>>
    tpu.wait_indirect_dma semaphore(%arg16 : memref<!tpu.dma_semaphore, #tpu.memory_space<semaphore_mem>>) src(%arg10 : memref<128x64xf32, #tpu.memory_space<vmem>>) dst(%dma_wait3A_41 : memref<10240x64xf32, #tpu.memory_space<vmem_shared>>)
    "tpu.region"() ({
      %run_scoped3A = tpu.sem_alloc : memref<!tpu.dma_semaphore, #tpu.memory_space<semaphore_mem>>
      %dma_start3A_67 = arith.constant 40 : i32
      %dma_start3A_68 = arith.constant 0 : i32
      %dma_start3A_69 = tpu.memref_slice %arg3[%add3A, %dma_start3A_67, %dma_start3A_68] : memref<32x80x128xi32, #tpu.memory_space<hbm>> -> memref<1x40x128xi32, #tpu.memory_space<hbm>>
      %dma_start3A_70 = tpu.memref_squeeze %dma_start3A_69 : memref<1x40x128xi32, #tpu.memory_space<hbm>> -> memref<40x128xi32, #tpu.memory_space<hbm>>
      %dma_start3A_71 = arith.constant 40 : i32
      %dma_start3A_72 = arith.constant 0 : i32
      %dma_start3A_73 = tpu.memref_slice %arg3[%add3A, %dma_start3A_71, %dma_start3A_72] : memref<32x80x128xi32, #tpu.memory_space<hbm>> -> memref<1x40x128xi32, #tpu.memory_space<hbm>>
      %dma_start3A_74 = tpu.memref_squeeze %dma_start3A_73 : memref<1x40x128xi32, #tpu.memory_space<hbm>> -> memref<40x128xi32, #tpu.memory_space<hbm>>
      tpu.enqueue_dma source(%dma_start3A_74 : memref<40x128xi32, #tpu.memory_space<hbm>>) target(%arg7 : memref<40x128xi32, #tpu.memory_space<vmem>>) target_semaphore(%run_scoped3A : memref<!tpu.dma_semaphore, #tpu.memory_space<semaphore_mem>>)
      %dma_wait3A_75 = arith.constant 40 : i32
      %dma_wait3A_76 = arith.constant 0 : i32
      %dma_wait3A_77 = tpu.memref_slice %arg3[%add3A, %dma_wait3A_75, %dma_wait3A_76] : memref<32x80x128xi32, #tpu.memory_space<hbm>> -> memref<1x40x128xi32, #tpu.memory_space<hbm>>
      %dma_wait3A_78 = tpu.memref_squeeze %dma_wait3A_77 : memref<1x40x128xi32, #tpu.memory_space<hbm>> -> memref<40x128xi32, #tpu.memory_space<hbm>>
      %dma_wait3A_79 = arith.constant 40 : i32
      %dma_wait3A_80 = arith.constant 0 : i32
      %dma_wait3A_81 = tpu.memref_slice %arg3[%add3A, %dma_wait3A_79, %dma_wait3A_80] : memref<32x80x128xi32, #tpu.memory_space<hbm>> -> memref<1x40x128xi32, #tpu.memory_space<hbm>>
      %dma_wait3A_82 = tpu.memref_squeeze %dma_wait3A_81 : memref<1x40x128xi32, #tpu.memory_space<hbm>> -> memref<40x128xi32, #tpu.memory_space<hbm>>
      tpu.wait_dma2 semaphore(%run_scoped3A : memref<!tpu.dma_semaphore, #tpu.memory_space<semaphore_mem>>) src(%dma_wait3A_82 : memref<40x128xi32, #tpu.memory_space<hbm>>) dst(%arg7 : memref<40x128xi32, #tpu.memory_space<vmem>>)
      tpu.yield
    }) : () -> ()
    "tpu.region"() ({
      %run_scoped3A = tpu.sem_alloc : memref<!tpu.dma_semaphore, #tpu.memory_space<semaphore_mem>>
      %dma_start3A_67 = arith.constant 40 : i32
      %dma_start3A_68 = arith.constant 0 : i32
      %dma_start3A_69 = tpu.memref_slice %arg4[%add3A, %dma_start3A_67, %dma_start3A_68] : memref<32x80x128xi32, #tpu.memory_space<hbm>> -> memref<1x40x128xi32, #tpu.memory_space<hbm>>
      %dma_start3A_70 = tpu.memref_squeeze %dma_start3A_69 : memref<1x40x128xi32, #tpu.memory_space<hbm>> -> memref<40x128xi32, #tpu.memory_space<hbm>>
      %dma_start3A_71 = arith.constant 40 : i32
      %dma_start3A_72 = arith.constant 0 : i32
      %dma_start3A_73 = tpu.memref_slice %arg4[%add3A, %dma_start3A_71, %dma_start3A_72] : memref<32x80x128xi32, #tpu.memory_space<hbm>> -> memref<1x40x128xi32, #tpu.memory_space<hbm>>
      %dma_start3A_74 = tpu.memref_squeeze %dma_start3A_73 : memref<1x40x128xi32, #tpu.memory_space<hbm>> -> memref<40x128xi32, #tpu.memory_space<hbm>>
      tpu.enqueue_dma source(%dma_start3A_74 : memref<40x128xi32, #tpu.memory_space<hbm>>) target(%arg8 : memref<40x128xi32, #tpu.memory_space<vmem>>) target_semaphore(%run_scoped3A : memref<!tpu.dma_semaphore, #tpu.memory_space<semaphore_mem>>)
      %dma_wait3A_75 = arith.constant 40 : i32
      %dma_wait3A_76 = arith.constant 0 : i32
      %dma_wait3A_77 = tpu.memref_slice %arg4[%add3A, %dma_wait3A_75, %dma_wait3A_76] : memref<32x80x128xi32, #tpu.memory_space<hbm>> -> memref<1x40x128xi32, #tpu.memory_space<hbm>>
      %dma_wait3A_78 = tpu.memref_squeeze %dma_wait3A_77 : memref<1x40x128xi32, #tpu.memory_space<hbm>> -> memref<40x128xi32, #tpu.memory_space<hbm>>
      %dma_wait3A_79 = arith.constant 40 : i32
      %dma_wait3A_80 = arith.constant 0 : i32
      %dma_wait3A_81 = tpu.memref_slice %arg4[%add3A, %dma_wait3A_79, %dma_wait3A_80] : memref<32x80x128xi32, #tpu.memory_space<hbm>> -> memref<1x40x128xi32, #tpu.memory_space<hbm>>
      %dma_wait3A_82 = tpu.memref_squeeze %dma_wait3A_81 : memref<1x40x128xi32, #tpu.memory_space<hbm>> -> memref<40x128xi32, #tpu.memory_space<hbm>>
      tpu.wait_dma2 semaphore(%run_scoped3A : memref<!tpu.dma_semaphore, #tpu.memory_space<semaphore_mem>>) src(%dma_wait3A_82 : memref<40x128xi32, #tpu.memory_space<hbm>>) dst(%arg8 : memref<40x128xi32, #tpu.memory_space<vmem>>)
      tpu.yield
    }) : () -> ()
    %dma_start3A_42 = arith.constant 0 : i32
    %dma_start3A_43 = arith.constant 0 : i32
    %dma_start3A_44 = tpu.memref_slice %arg7[%dma_start3A_42, %dma_start3A_43] : memref<40x128xi32, #tpu.memory_space<vmem>> -> memref<1x128xi32, #tpu.memory_space<vmem>>
    %dma_start3A_45 = tpu.memref_squeeze %dma_start3A_44 : memref<1x128xi32, #tpu.memory_space<vmem>> -> memref<128xi32, #tpu.memory_space<vmem>>
    %dma_start3A_46 = arith.constant 0 : i32
    %dma_start3A_47 = arith.constant 0 : i32
    %dma_start3A_48 = tpu.memref_slice %arg12[%dma_start3A_46, %dma_start3A_47] : memref<10000x64xf32, #tpu.memory_space<vmem_shared>> -> memref<10000x64xf32, #tpu.memory_space<vmem_shared>>
    tpu.enqueue_indirect_dma source(%dma_start3A_48 : memref<10000x64xf32, #tpu.memory_space<vmem_shared>>) target(%arg9 : memref<128x64xf32, #tpu.memory_space<vmem>>) offsets(%dma_start3A_45 : memref<128xi32, #tpu.memory_space<vmem>>) semaphore(%arg13 : memref<!tpu.dma_semaphore, #tpu.memory_space<semaphore_mem>>)
    %scan3A_49 = arith.constant 0 : i32
    %scan3A_50 = arith.constant 0 : i32
    %scan3A_51 = arith.constant 20 : i32
    %scan3A_52 = arith.addi %scan3A_50, %scan3A_51 : i32
    %scan3A_53 = arith.constant 1 : i32
    scf.for %scan3A_67 = %scan3A_50 to %scan3A_52 step %scan3A_53  : i32 {
      %mul3A_68 = arith.constant 2 : i32
      %mul3A_69 = arith.muli %mul3A_68, %scan3A_67 : i32
      %mul3A_70 = arith.constant 2 : i32
      %mul3A_71 = arith.muli %mul3A_70, %scan3A_67 : i32
      %add3A_72 = arith.constant 1 : i32
      %add3A_73 = arith.addi %mul3A_71, %add3A_72 : i32
      %dma_wait3A_74 = arith.constant 0 : i32
      %dma_wait3A_75 = tpu.memref_slice %arg7[%mul3A_69, %dma_wait3A_74] : memref<40x128xi32, #tpu.memory_space<vmem>> -> memref<1x128xi32, #tpu.memory_space<vmem>>
      %dma_wait3A_76 = tpu.memref_squeeze %dma_wait3A_75 : memref<1x128xi32, #tpu.memory_space<vmem>> -> memref<128xi32, #tpu.memory_space<vmem>>
      %dma_wait3A_77 = arith.constant 0 : i32
      %dma_wait3A_78 = arith.constant 0 : i32
      %dma_wait3A_79 = tpu.memref_slice %arg12[%dma_wait3A_77, %dma_wait3A_78] : memref<10000x64xf32, #tpu.memory_space<vmem_shared>> -> memref<10000x64xf32, #tpu.memory_space<vmem_shared>>
      tpu.wait_indirect_dma semaphore(%arg13 : memref<!tpu.dma_semaphore, #tpu.memory_space<semaphore_mem>>) src(%dma_wait3A_79 : memref<10000x64xf32, #tpu.memory_space<vmem_shared>>) dst(%arg9 : memref<128x64xf32, #tpu.memory_space<vmem>>)
      %dma_start3A_80 = arith.constant 0 : i32
      %dma_start3A_81 = tpu.memref_slice %arg8[%mul3A_69, %dma_start3A_80] : memref<40x128xi32, #tpu.memory_space<vmem>> -> memref<1x128xi32, #tpu.memory_space<vmem>>
      %dma_start3A_82 = tpu.memref_squeeze %dma_start3A_81 : memref<1x128xi32, #tpu.memory_space<vmem>> -> memref<128xi32, #tpu.memory_space<vmem>>
      %dma_start3A_83 = arith.constant 0 : i32
      %dma_start3A_84 = arith.constant 0 : i32
      %dma_start3A_85 = tpu.memref_slice %arg11[%dma_start3A_83, %dma_start3A_84] : memref<10240x64xf32, #tpu.memory_space<vmem_shared>> -> memref<10240x64xf32, #tpu.memory_space<vmem_shared>>
      tpu.enqueue_indirect_dma source(%arg9 : memref<128x64xf32, #tpu.memory_space<vmem>>) target(%dma_start3A_85 : memref<10240x64xf32, #tpu.memory_space<vmem_shared>>) offsets(%dma_start3A_82 : memref<128xi32, #tpu.memory_space<vmem>>) semaphore(%arg15 : memref<!tpu.dma_semaphore, #tpu.memory_space<semaphore_mem>>) {add = true}
      %gt3A = arith.constant 0 : i32
      %gt3A_86 = arith.cmpi sgt, %scan3A_67, %gt3A : i32
      %convert_element_type3A = arith.extui %gt3A_86 : i1 to i32
      %cond3A = arith.constant 0 : i32
      %cond3A_87 = arith.cmpi ne, %convert_element_type3A, %cond3A : i32
      scf.if %cond3A_87 {
        %sub3A = arith.constant 2 : i32
        %sub3A_118 = arith.subi %add3A_73, %sub3A : i32
        %dma_wait3A_119 = arith.constant 0 : i32
        %dma_wait3A_120 = tpu.memref_slice %arg8[%sub3A_118, %dma_wait3A_119] : memref<40x128xi32, #tpu.memory_space<vmem>> -> memref<1x128xi32, #tpu.memory_space<vmem>>
        %dma_wait3A_121 = tpu.memref_squeeze %dma_wait3A_120 : memref<1x128xi32, #tpu.memory_space<vmem>> -> memref<128xi32, #tpu.memory_space<vmem>>
        %dma_wait3A_122 = arith.constant 0 : i32
        %dma_wait3A_123 = arith.constant 0 : i32
        %dma_wait3A_124 = tpu.memref_slice %arg11[%dma_wait3A_122, %dma_wait3A_123] : memref<10240x64xf32, #tpu.memory_space<vmem_shared>> -> memref<10240x64xf32, #tpu.memory_space<vmem_shared>>
        tpu.wait_indirect_dma semaphore(%arg16 : memref<!tpu.dma_semaphore, #tpu.memory_space<semaphore_mem>>) src(%arg10 : memref<128x64xf32, #tpu.memory_space<vmem>>) dst(%dma_wait3A_124 : memref<10240x64xf32, #tpu.memory_space<vmem_shared>>)
      } else {
      }
      %dma_start3A_88 = arith.constant 0 : i32
      %dma_start3A_89 = tpu.memref_slice %arg7[%add3A_73, %dma_start3A_88] : memref<40x128xi32, #tpu.memory_space<vmem>> -> memref<1x128xi32, #tpu.memory_space<vmem>>
      %dma_start3A_90 = tpu.memref_squeeze %dma_start3A_89 : memref<1x128xi32, #tpu.memory_space<vmem>> -> memref<128xi32, #tpu.memory_space<vmem>>
      %dma_start3A_91 = arith.constant 0 : i32
      %dma_start3A_92 = arith.constant 0 : i32
      %dma_start3A_93 = tpu.memref_slice %arg12[%dma_start3A_91, %dma_start3A_92] : memref<10000x64xf32, #tpu.memory_space<vmem_shared>> -> memref<10000x64xf32, #tpu.memory_space<vmem_shared>>
      tpu.enqueue_indirect_dma source(%dma_start3A_93 : memref<10000x64xf32, #tpu.memory_space<vmem_shared>>) target(%arg10 : memref<128x64xf32, #tpu.memory_space<vmem>>) offsets(%dma_start3A_90 : memref<128xi32, #tpu.memory_space<vmem>>) semaphore(%arg14 : memref<!tpu.dma_semaphore, #tpu.memory_space<semaphore_mem>>)
      %dma_wait3A_94 = arith.constant 0 : i32
      %dma_wait3A_95 = tpu.memref_slice %arg7[%add3A_73, %dma_wait3A_94] : memref<40x128xi32, #tpu.memory_space<vmem>> -> memref<1x128xi32, #tpu.memory_space<vmem>>
      %dma_wait3A_96 = tpu.memref_squeeze %dma_wait3A_95 : memref<1x128xi32, #tpu.memory_space<vmem>> -> memref<128xi32, #tpu.memory_space<vmem>>
      %dma_wait3A_97 = arith.constant 0 : i32
      %dma_wait3A_98 = arith.constant 0 : i32
      %dma_wait3A_99 = tpu.memref_slice %arg12[%dma_wait3A_97, %dma_wait3A_98] : memref<10000x64xf32, #tpu.memory_space<vmem_shared>> -> memref<10000x64xf32, #tpu.memory_space<vmem_shared>>
      tpu.wait_indirect_dma semaphore(%arg14 : memref<!tpu.dma_semaphore, #tpu.memory_space<semaphore_mem>>) src(%dma_wait3A_99 : memref<10000x64xf32, #tpu.memory_space<vmem_shared>>) dst(%arg10 : memref<128x64xf32, #tpu.memory_space<vmem>>)
      %dma_start3A_100 = arith.constant 0 : i32
      %dma_start3A_101 = tpu.memref_slice %arg8[%add3A_73, %dma_start3A_100] : memref<40x128xi32, #tpu.memory_space<vmem>> -> memref<1x128xi32, #tpu.memory_space<vmem>>
      %dma_start3A_102 = tpu.memref_squeeze %dma_start3A_101 : memref<1x128xi32, #tpu.memory_space<vmem>> -> memref<128xi32, #tpu.memory_space<vmem>>
      %dma_start3A_103 = arith.constant 0 : i32
      %dma_start3A_104 = arith.constant 0 : i32
      %dma_start3A_105 = tpu.memref_slice %arg11[%dma_start3A_103, %dma_start3A_104] : memref<10240x64xf32, #tpu.memory_space<vmem_shared>> -> memref<10240x64xf32, #tpu.memory_space<vmem_shared>>
      tpu.enqueue_indirect_dma source(%arg10 : memref<128x64xf32, #tpu.memory_space<vmem>>) target(%dma_start3A_105 : memref<10240x64xf32, #tpu.memory_space<vmem_shared>>) offsets(%dma_start3A_102 : memref<128xi32, #tpu.memory_space<vmem>>) semaphore(%arg16 : memref<!tpu.dma_semaphore, #tpu.memory_space<semaphore_mem>>) {add = true}
      %dma_wait3A_106 = arith.constant 0 : i32
      %dma_wait3A_107 = tpu.memref_slice %arg8[%mul3A_69, %dma_wait3A_106] : memref<40x128xi32, #tpu.memory_space<vmem>> -> memref<1x128xi32, #tpu.memory_space<vmem>>
      %dma_wait3A_108 = tpu.memref_squeeze %dma_wait3A_107 : memref<1x128xi32, #tpu.memory_space<vmem>> -> memref<128xi32, #tpu.memory_space<vmem>>
      %dma_wait3A_109 = arith.constant 0 : i32
      %dma_wait3A_110 = arith.constant 0 : i32
      %dma_wait3A_111 = tpu.memref_slice %arg11[%dma_wait3A_109, %dma_wait3A_110] : memref<10240x64xf32, #tpu.memory_space<vmem_shared>> -> memref<10240x64xf32, #tpu.memory_space<vmem_shared>>
      tpu.wait_indirect_dma semaphore(%arg15 : memref<!tpu.dma_semaphore, #tpu.memory_space<semaphore_mem>>) src(%arg9 : memref<128x64xf32, #tpu.memory_space<vmem>>) dst(%dma_wait3A_111 : memref<10240x64xf32, #tpu.memory_space<vmem_shared>>)
      %add3A_112 = arith.constant 2 : i32
      %add3A_113 = arith.addi %mul3A_69, %add3A_112 : i32
      %lt3A = arith.constant 40 : i32
      %lt3A_114 = arith.cmpi slt, %add3A_113, %lt3A : i32
      %convert_element_type3A_115 = arith.extui %lt3A_114 : i1 to i32
      %cond3A_116 = arith.constant 0 : i32
      %cond3A_117 = arith.cmpi ne, %convert_element_type3A_115, %cond3A_116 : i32
      scf.if %cond3A_117 {
        %add3A_118 = arith.constant 2 : i32
        %add3A_119 = arith.addi %mul3A_69, %add3A_118 : i32
        %dma_start3A_120 = arith.constant 0 : i32
        %dma_start3A_121 = tpu.memref_slice %arg7[%add3A_119, %dma_start3A_120] : memref<40x128xi32, #tpu.memory_space<vmem>> -> memref<1x128xi32, #tpu.memory_space<vmem>>
        %dma_start3A_122 = tpu.memref_squeeze %dma_start3A_121 : memref<1x128xi32, #tpu.memory_space<vmem>> -> memref<128xi32, #tpu.memory_space<vmem>>
        %dma_start3A_123 = arith.constant 0 : i32
        %dma_start3A_124 = arith.constant 0 : i32
        %dma_start3A_125 = tpu.memref_slice %arg12[%dma_start3A_123, %dma_start3A_124] : memref<10000x64xf32, #tpu.memory_space<vmem_shared>> -> memref<10000x64xf32, #tpu.memory_space<vmem_shared>>
        tpu.enqueue_indirect_dma source(%dma_start3A_125 : memref<10000x64xf32, #tpu.memory_space<vmem_shared>>) target(%arg9 : memref<128x64xf32, #tpu.memory_space<vmem>>) offsets(%dma_start3A_122 : memref<128xi32, #tpu.memory_space<vmem>>) semaphore(%arg13 : memref<!tpu.dma_semaphore, #tpu.memory_space<semaphore_mem>>)
      } else {
      }
    }
    %scan3A_54 = arith.constant 20 : i32
    %dma_wait3A_55 = arith.constant 39 : i32
    %dma_wait3A_56 = arith.constant 0 : i32
    %dma_wait3A_57 = tpu.memref_slice %arg8[%dma_wait3A_55, %dma_wait3A_56] : memref<40x128xi32, #tpu.memory_space<vmem>> -> memref<1x128xi32, #tpu.memory_space<vmem>>
    %dma_wait3A_58 = tpu.memref_squeeze %dma_wait3A_57 : memref<1x128xi32, #tpu.memory_space<vmem>> -> memref<128xi32, #tpu.memory_space<vmem>>
    %dma_wait3A_59 = arith.constant 0 : i32
    %dma_wait3A_60 = arith.constant 0 : i32
    %dma_wait3A_61 = tpu.memref_slice %arg11[%dma_wait3A_59, %dma_wait3A_60] : memref<10240x64xf32, #tpu.memory_space<vmem_shared>> -> memref<10240x64xf32, #tpu.memory_space<vmem_shared>>
    tpu.wait_indirect_dma semaphore(%arg16 : memref<!tpu.dma_semaphore, #tpu.memory_space<semaphore_mem>>) src(%arg10 : memref<128x64xf32, #tpu.memory_space<vmem>>) dst(%dma_wait3A_61 : memref<10240x64xf32, #tpu.memory_space<vmem_shared>>)
    %barrier3A_62 = arith.constant 0 : index
    tpu.barrier barrier_id(%barrier3A_62)
    %mul3A_63 = arith.constant 640 : i32
    %mul3A_64 = arith.muli %arg1, %mul3A_63 : i32
    %mul3A_65 = arith.constant 640 : i32
    %mul3A_66 = arith.muli %arg1, %mul3A_65 : i32
    "tpu.region"() ({
      %run_scoped3A = tpu.sem_alloc : memref<!tpu.dma_semaphore, #tpu.memory_space<semaphore_mem>>
      %dma_start3A_67 = arith.constant 0 : i32
      %dma_start3A_68 = tpu.memref_slice %arg6[%arg0, %mul3A_66, %dma_start3A_67] : memref<2x10240x64xf32, #tpu.memory_space<hbm>> -> memref<1x640x64xf32, #tpu.memory_space<hbm>>
      %dma_start3A_69 = tpu.memref_squeeze %dma_start3A_68 : memref<1x640x64xf32, #tpu.memory_space<hbm>> -> memref<640x64xf32, #tpu.memory_space<hbm>>
      %dma_start3A_70 = arith.constant 0 : i32
      %dma_start3A_71 = tpu.memref_slice %arg11[%mul3A_64, %dma_start3A_70] : memref<10240x64xf32, #tpu.memory_space<vmem_shared>> -> memref<640x64xf32, #tpu.memory_space<vmem_shared>>
      tpu.enqueue_dma source(%dma_start3A_71 : memref<640x64xf32, #tpu.memory_space<vmem_shared>>) target(%dma_start3A_69 : memref<640x64xf32, #tpu.memory_space<hbm>>) target_semaphore(%run_scoped3A : memref<!tpu.dma_semaphore, #tpu.memory_space<semaphore_mem>>)
      %dma_wait3A_72 = arith.constant 0 : i32
      %dma_wait3A_73 = tpu.memref_slice %arg6[%arg0, %mul3A_66, %dma_wait3A_72] : memref<2x10240x64xf32, #tpu.memory_space<hbm>> -> memref<1x640x64xf32, #tpu.memory_space<hbm>>
      %dma_wait3A_74 = tpu.memref_squeeze %dma_wait3A_73 : memref<1x640x64xf32, #tpu.memory_space<hbm>> -> memref<640x64xf32, #tpu.memory_space<hbm>>
      %dma_wait3A_75 = arith.constant 0 : i32
      %dma_wait3A_76 = tpu.memref_slice %arg11[%mul3A_64, %dma_wait3A_75] : memref<10240x64xf32, #tpu.memory_space<vmem_shared>> -> memref<640x64xf32, #tpu.memory_space<vmem_shared>>
      tpu.wait_dma2 semaphore(%run_scoped3A : memref<!tpu.dma_semaphore, #tpu.memory_space<semaphore_mem>>) src(%dma_wait3A_76 : memref<640x64xf32, #tpu.memory_space<vmem_shared>>) dst(%dma_wait3A_74 : memref<640x64xf32, #tpu.memory_space<hbm>>)
      tpu.yield
    }) : () -> ()
    return
  }
}

#map = affine_map<(d0, d1) -> (0, 0)>
#map1 = affine_map<(d0, d1) -> (0, 0, 0)>
module attributes {stable_mosaic.version = 14 : i64} {
  func.func @agg(%arg0: i32, %arg1: i32, %arg2: memref<10000x128xf32, #tpu.memory_space<hbm>>, %arg3: memref<32x80x128xi32, #tpu.memory_space<hbm>>, %arg4: memref<32x80x128xi32, #tpu.memory_space<hbm>>, %arg5: memref<128x128xf32, #tpu.memory_space<hbm>>, %arg6: memref<2x10240x128xf32, #tpu.memory_space<hbm>>, %arg7: memref<40x128xi32, #tpu.memory_space<vmem>>, %arg8: memref<40x128xi32, #tpu.memory_space<vmem>>, %arg9: memref<128x128xf32, #tpu.memory_space<vmem>>, %arg10: memref<128x128xf32, #tpu.memory_space<vmem>>, %arg11: memref<10240x128xf32, #tpu.memory_space<vmem_shared>>, %arg12: memref<!tpu.dma_semaphore, #tpu.memory_space<semaphore_mem>>, %arg13: memref<!tpu.dma_semaphore, #tpu.memory_space<semaphore_mem>>, %arg14: memref<!tpu.dma_semaphore, #tpu.memory_space<semaphore_mem>>, %arg15: memref<!tpu.dma_semaphore, #tpu.memory_space<semaphore_mem>>) attributes {dimension_semantics = [#tpu.dimension_semantics<core_parallel>, #tpu.dimension_semantics<subcore_parallel>], iteration_bounds = array<i64: 2, 16>, scalar_prefetch = 0 : i64, scratch_operands = 9 : i64, tpu.core_type = #tpu.core_type<sc_vector_subcore>, window_params = [{transform_indices = #map}, {transform_indices = #map1}, {transform_indices = #map1}, {transform_indices = #map}, {transform_indices = #map1}]} {
    %mul3A = arith.constant 16 : i32
    %mul3A_0 = arith.muli %arg0, %mul3A : i32
    %add3A = arith.addi %mul3A_0, %arg1 : i32
    "tpu.region"() ({
      %run_scoped3A = tpu.sem_alloc : memref<!tpu.dma_semaphore, #tpu.memory_space<semaphore_mem>>
      tpu.enqueue_dma source(%arg5 : memref<128x128xf32, #tpu.memory_space<hbm>>) target(%arg9 : memref<128x128xf32, #tpu.memory_space<vmem>>) target_semaphore(%run_scoped3A : memref<!tpu.dma_semaphore, #tpu.memory_space<semaphore_mem>>)
      tpu.wait_dma2 semaphore(%run_scoped3A : memref<!tpu.dma_semaphore, #tpu.memory_space<semaphore_mem>>) src(%arg5 : memref<128x128xf32, #tpu.memory_space<hbm>>) dst(%arg9 : memref<128x128xf32, #tpu.memory_space<vmem>>)
      tpu.yield
    }) : () -> ()
    %mul3A_1 = arith.constant 640 : i32
    %mul3A_2 = arith.muli %arg1, %mul3A_1 : i32
    %add3A_3 = arith.constant 0 : i32
    %add3A_4 = arith.addi %mul3A_2, %add3A_3 : i32
    "tpu.region"() ({
      %run_scoped3A = tpu.sem_alloc : memref<!tpu.dma_semaphore, #tpu.memory_space<semaphore_mem>>
      %dma_start3A_63 = arith.constant 0 : i32
      %dma_start3A_64 = tpu.memref_slice %arg11[%add3A_4, %dma_start3A_63] : memref<10240x128xf32, #tpu.memory_space<vmem_shared>> -> memref<128x128xf32, #tpu.memory_space<vmem_shared>>
      %dma_start3A_65 = arith.constant 0 : i32
      %dma_start3A_66 = tpu.memref_slice %arg11[%add3A_4, %dma_start3A_65] : memref<10240x128xf32, #tpu.memory_space<vmem_shared>> -> memref<128x128xf32, #tpu.memory_space<vmem_shared>>
      tpu.enqueue_dma source(%arg9 : memref<128x128xf32, #tpu.memory_space<vmem>>) target(%dma_start3A_66 : memref<128x128xf32, #tpu.memory_space<vmem_shared>>) target_semaphore(%run_scoped3A : memref<!tpu.dma_semaphore, #tpu.memory_space<semaphore_mem>>)
      %dma_wait3A_67 = arith.constant 0 : i32
      %dma_wait3A_68 = tpu.memref_slice %arg11[%add3A_4, %dma_wait3A_67] : memref<10240x128xf32, #tpu.memory_space<vmem_shared>> -> memref<128x128xf32, #tpu.memory_space<vmem_shared>>
      %dma_wait3A_69 = arith.constant 0 : i32
      %dma_wait3A_70 = tpu.memref_slice %arg11[%add3A_4, %dma_wait3A_69] : memref<10240x128xf32, #tpu.memory_space<vmem_shared>> -> memref<128x128xf32, #tpu.memory_space<vmem_shared>>
      tpu.wait_dma2 semaphore(%run_scoped3A : memref<!tpu.dma_semaphore, #tpu.memory_space<semaphore_mem>>) src(%arg9 : memref<128x128xf32, #tpu.memory_space<vmem>>) dst(%dma_wait3A_70 : memref<128x128xf32, #tpu.memory_space<vmem_shared>>)
      tpu.yield
    }) : () -> ()
    %mul3A_5 = arith.constant 640 : i32
    %mul3A_6 = arith.muli %arg1, %mul3A_5 : i32
    %add3A_7 = arith.constant 128 : i32
    %add3A_8 = arith.addi %mul3A_6, %add3A_7 : i32
    "tpu.region"() ({
      %run_scoped3A = tpu.sem_alloc : memref<!tpu.dma_semaphore, #tpu.memory_space<semaphore_mem>>
      %dma_start3A_63 = arith.constant 0 : i32
      %dma_start3A_64 = tpu.memref_slice %arg11[%add3A_8, %dma_start3A_63] : memref<10240x128xf32, #tpu.memory_space<vmem_shared>> -> memref<128x128xf32, #tpu.memory_space<vmem_shared>>
      %dma_start3A_65 = arith.constant 0 : i32
      %dma_start3A_66 = tpu.memref_slice %arg11[%add3A_8, %dma_start3A_65] : memref<10240x128xf32, #tpu.memory_space<vmem_shared>> -> memref<128x128xf32, #tpu.memory_space<vmem_shared>>
      tpu.enqueue_dma source(%arg9 : memref<128x128xf32, #tpu.memory_space<vmem>>) target(%dma_start3A_66 : memref<128x128xf32, #tpu.memory_space<vmem_shared>>) target_semaphore(%run_scoped3A : memref<!tpu.dma_semaphore, #tpu.memory_space<semaphore_mem>>)
      %dma_wait3A_67 = arith.constant 0 : i32
      %dma_wait3A_68 = tpu.memref_slice %arg11[%add3A_8, %dma_wait3A_67] : memref<10240x128xf32, #tpu.memory_space<vmem_shared>> -> memref<128x128xf32, #tpu.memory_space<vmem_shared>>
      %dma_wait3A_69 = arith.constant 0 : i32
      %dma_wait3A_70 = tpu.memref_slice %arg11[%add3A_8, %dma_wait3A_69] : memref<10240x128xf32, #tpu.memory_space<vmem_shared>> -> memref<128x128xf32, #tpu.memory_space<vmem_shared>>
      tpu.wait_dma2 semaphore(%run_scoped3A : memref<!tpu.dma_semaphore, #tpu.memory_space<semaphore_mem>>) src(%arg9 : memref<128x128xf32, #tpu.memory_space<vmem>>) dst(%dma_wait3A_70 : memref<128x128xf32, #tpu.memory_space<vmem_shared>>)
      tpu.yield
    }) : () -> ()
    %mul3A_9 = arith.constant 640 : i32
    %mul3A_10 = arith.muli %arg1, %mul3A_9 : i32
    %add3A_11 = arith.constant 256 : i32
    %add3A_12 = arith.addi %mul3A_10, %add3A_11 : i32
    "tpu.region"() ({
      %run_scoped3A = tpu.sem_alloc : memref<!tpu.dma_semaphore, #tpu.memory_space<semaphore_mem>>
      %dma_start3A_63 = arith.constant 0 : i32
      %dma_start3A_64 = tpu.memref_slice %arg11[%add3A_12, %dma_start3A_63] : memref<10240x128xf32, #tpu.memory_space<vmem_shared>> -> memref<128x128xf32, #tpu.memory_space<vmem_shared>>
      %dma_start3A_65 = arith.constant 0 : i32
      %dma_start3A_66 = tpu.memref_slice %arg11[%add3A_12, %dma_start3A_65] : memref<10240x128xf32, #tpu.memory_space<vmem_shared>> -> memref<128x128xf32, #tpu.memory_space<vmem_shared>>
      tpu.enqueue_dma source(%arg9 : memref<128x128xf32, #tpu.memory_space<vmem>>) target(%dma_start3A_66 : memref<128x128xf32, #tpu.memory_space<vmem_shared>>) target_semaphore(%run_scoped3A : memref<!tpu.dma_semaphore, #tpu.memory_space<semaphore_mem>>)
      %dma_wait3A_67 = arith.constant 0 : i32
      %dma_wait3A_68 = tpu.memref_slice %arg11[%add3A_12, %dma_wait3A_67] : memref<10240x128xf32, #tpu.memory_space<vmem_shared>> -> memref<128x128xf32, #tpu.memory_space<vmem_shared>>
      %dma_wait3A_69 = arith.constant 0 : i32
      %dma_wait3A_70 = tpu.memref_slice %arg11[%add3A_12, %dma_wait3A_69] : memref<10240x128xf32, #tpu.memory_space<vmem_shared>> -> memref<128x128xf32, #tpu.memory_space<vmem_shared>>
      tpu.wait_dma2 semaphore(%run_scoped3A : memref<!tpu.dma_semaphore, #tpu.memory_space<semaphore_mem>>) src(%arg9 : memref<128x128xf32, #tpu.memory_space<vmem>>) dst(%dma_wait3A_70 : memref<128x128xf32, #tpu.memory_space<vmem_shared>>)
      tpu.yield
    }) : () -> ()
    %mul3A_13 = arith.constant 640 : i32
    %mul3A_14 = arith.muli %arg1, %mul3A_13 : i32
    %add3A_15 = arith.constant 384 : i32
    %add3A_16 = arith.addi %mul3A_14, %add3A_15 : i32
    "tpu.region"() ({
      %run_scoped3A = tpu.sem_alloc : memref<!tpu.dma_semaphore, #tpu.memory_space<semaphore_mem>>
      %dma_start3A_63 = arith.constant 0 : i32
      %dma_start3A_64 = tpu.memref_slice %arg11[%add3A_16, %dma_start3A_63] : memref<10240x128xf32, #tpu.memory_space<vmem_shared>> -> memref<128x128xf32, #tpu.memory_space<vmem_shared>>
      %dma_start3A_65 = arith.constant 0 : i32
      %dma_start3A_66 = tpu.memref_slice %arg11[%add3A_16, %dma_start3A_65] : memref<10240x128xf32, #tpu.memory_space<vmem_shared>> -> memref<128x128xf32, #tpu.memory_space<vmem_shared>>
      tpu.enqueue_dma source(%arg9 : memref<128x128xf32, #tpu.memory_space<vmem>>) target(%dma_start3A_66 : memref<128x128xf32, #tpu.memory_space<vmem_shared>>) target_semaphore(%run_scoped3A : memref<!tpu.dma_semaphore, #tpu.memory_space<semaphore_mem>>)
      %dma_wait3A_67 = arith.constant 0 : i32
      %dma_wait3A_68 = tpu.memref_slice %arg11[%add3A_16, %dma_wait3A_67] : memref<10240x128xf32, #tpu.memory_space<vmem_shared>> -> memref<128x128xf32, #tpu.memory_space<vmem_shared>>
      %dma_wait3A_69 = arith.constant 0 : i32
      %dma_wait3A_70 = tpu.memref_slice %arg11[%add3A_16, %dma_wait3A_69] : memref<10240x128xf32, #tpu.memory_space<vmem_shared>> -> memref<128x128xf32, #tpu.memory_space<vmem_shared>>
      tpu.wait_dma2 semaphore(%run_scoped3A : memref<!tpu.dma_semaphore, #tpu.memory_space<semaphore_mem>>) src(%arg9 : memref<128x128xf32, #tpu.memory_space<vmem>>) dst(%dma_wait3A_70 : memref<128x128xf32, #tpu.memory_space<vmem_shared>>)
      tpu.yield
    }) : () -> ()
    %mul3A_17 = arith.constant 640 : i32
    %mul3A_18 = arith.muli %arg1, %mul3A_17 : i32
    %add3A_19 = arith.constant 512 : i32
    %add3A_20 = arith.addi %mul3A_18, %add3A_19 : i32
    "tpu.region"() ({
      %run_scoped3A = tpu.sem_alloc : memref<!tpu.dma_semaphore, #tpu.memory_space<semaphore_mem>>
      %dma_start3A_63 = arith.constant 0 : i32
      %dma_start3A_64 = tpu.memref_slice %arg11[%add3A_20, %dma_start3A_63] : memref<10240x128xf32, #tpu.memory_space<vmem_shared>> -> memref<128x128xf32, #tpu.memory_space<vmem_shared>>
      %dma_start3A_65 = arith.constant 0 : i32
      %dma_start3A_66 = tpu.memref_slice %arg11[%add3A_20, %dma_start3A_65] : memref<10240x128xf32, #tpu.memory_space<vmem_shared>> -> memref<128x128xf32, #tpu.memory_space<vmem_shared>>
      tpu.enqueue_dma source(%arg9 : memref<128x128xf32, #tpu.memory_space<vmem>>) target(%dma_start3A_66 : memref<128x128xf32, #tpu.memory_space<vmem_shared>>) target_semaphore(%run_scoped3A : memref<!tpu.dma_semaphore, #tpu.memory_space<semaphore_mem>>)
      %dma_wait3A_67 = arith.constant 0 : i32
      %dma_wait3A_68 = tpu.memref_slice %arg11[%add3A_20, %dma_wait3A_67] : memref<10240x128xf32, #tpu.memory_space<vmem_shared>> -> memref<128x128xf32, #tpu.memory_space<vmem_shared>>
      %dma_wait3A_69 = arith.constant 0 : i32
      %dma_wait3A_70 = tpu.memref_slice %arg11[%add3A_20, %dma_wait3A_69] : memref<10240x128xf32, #tpu.memory_space<vmem_shared>> -> memref<128x128xf32, #tpu.memory_space<vmem_shared>>
      tpu.wait_dma2 semaphore(%run_scoped3A : memref<!tpu.dma_semaphore, #tpu.memory_space<semaphore_mem>>) src(%arg9 : memref<128x128xf32, #tpu.memory_space<vmem>>) dst(%dma_wait3A_70 : memref<128x128xf32, #tpu.memory_space<vmem_shared>>)
      tpu.yield
    }) : () -> ()
    %barrier3A = arith.constant 0 : index
    tpu.barrier barrier_id(%barrier3A)
    "tpu.region"() ({
      %run_scoped3A = tpu.sem_alloc : memref<!tpu.dma_semaphore, #tpu.memory_space<semaphore_mem>>
      %dma_start3A_63 = arith.constant 0 : i32
      %dma_start3A_64 = arith.constant 0 : i32
      %dma_start3A_65 = tpu.memref_slice %arg3[%add3A, %dma_start3A_63, %dma_start3A_64] : memref<32x80x128xi32, #tpu.memory_space<hbm>> -> memref<1x40x128xi32, #tpu.memory_space<hbm>>
      %dma_start3A_66 = tpu.memref_squeeze %dma_start3A_65 : memref<1x40x128xi32, #tpu.memory_space<hbm>> -> memref<40x128xi32, #tpu.memory_space<hbm>>
      %dma_start3A_67 = arith.constant 0 : i32
      %dma_start3A_68 = arith.constant 0 : i32
      %dma_start3A_69 = tpu.memref_slice %arg3[%add3A, %dma_start3A_67, %dma_start3A_68] : memref<32x80x128xi32, #tpu.memory_space<hbm>> -> memref<1x40x128xi32, #tpu.memory_space<hbm>>
      %dma_start3A_70 = tpu.memref_squeeze %dma_start3A_69 : memref<1x40x128xi32, #tpu.memory_space<hbm>> -> memref<40x128xi32, #tpu.memory_space<hbm>>
      tpu.enqueue_dma source(%dma_start3A_70 : memref<40x128xi32, #tpu.memory_space<hbm>>) target(%arg7 : memref<40x128xi32, #tpu.memory_space<vmem>>) target_semaphore(%run_scoped3A : memref<!tpu.dma_semaphore, #tpu.memory_space<semaphore_mem>>)
      %dma_wait3A_71 = arith.constant 0 : i32
      %dma_wait3A_72 = arith.constant 0 : i32
      %dma_wait3A_73 = tpu.memref_slice %arg3[%add3A, %dma_wait3A_71, %dma_wait3A_72] : memref<32x80x128xi32, #tpu.memory_space<hbm>> -> memref<1x40x128xi32, #tpu.memory_space<hbm>>
      %dma_wait3A_74 = tpu.memref_squeeze %dma_wait3A_73 : memref<1x40x128xi32, #tpu.memory_space<hbm>> -> memref<40x128xi32, #tpu.memory_space<hbm>>
      %dma_wait3A_75 = arith.constant 0 : i32
      %dma_wait3A_76 = arith.constant 0 : i32
      %dma_wait3A_77 = tpu.memref_slice %arg3[%add3A, %dma_wait3A_75, %dma_wait3A_76] : memref<32x80x128xi32, #tpu.memory_space<hbm>> -> memref<1x40x128xi32, #tpu.memory_space<hbm>>
      %dma_wait3A_78 = tpu.memref_squeeze %dma_wait3A_77 : memref<1x40x128xi32, #tpu.memory_space<hbm>> -> memref<40x128xi32, #tpu.memory_space<hbm>>
      tpu.wait_dma2 semaphore(%run_scoped3A : memref<!tpu.dma_semaphore, #tpu.memory_space<semaphore_mem>>) src(%dma_wait3A_78 : memref<40x128xi32, #tpu.memory_space<hbm>>) dst(%arg7 : memref<40x128xi32, #tpu.memory_space<vmem>>)
      tpu.yield
    }) : () -> ()
    "tpu.region"() ({
      %run_scoped3A = tpu.sem_alloc : memref<!tpu.dma_semaphore, #tpu.memory_space<semaphore_mem>>
      %dma_start3A_63 = arith.constant 0 : i32
      %dma_start3A_64 = arith.constant 0 : i32
      %dma_start3A_65 = tpu.memref_slice %arg4[%add3A, %dma_start3A_63, %dma_start3A_64] : memref<32x80x128xi32, #tpu.memory_space<hbm>> -> memref<1x40x128xi32, #tpu.memory_space<hbm>>
      %dma_start3A_66 = tpu.memref_squeeze %dma_start3A_65 : memref<1x40x128xi32, #tpu.memory_space<hbm>> -> memref<40x128xi32, #tpu.memory_space<hbm>>
      %dma_start3A_67 = arith.constant 0 : i32
      %dma_start3A_68 = arith.constant 0 : i32
      %dma_start3A_69 = tpu.memref_slice %arg4[%add3A, %dma_start3A_67, %dma_start3A_68] : memref<32x80x128xi32, #tpu.memory_space<hbm>> -> memref<1x40x128xi32, #tpu.memory_space<hbm>>
      %dma_start3A_70 = tpu.memref_squeeze %dma_start3A_69 : memref<1x40x128xi32, #tpu.memory_space<hbm>> -> memref<40x128xi32, #tpu.memory_space<hbm>>
      tpu.enqueue_dma source(%dma_start3A_70 : memref<40x128xi32, #tpu.memory_space<hbm>>) target(%arg8 : memref<40x128xi32, #tpu.memory_space<vmem>>) target_semaphore(%run_scoped3A : memref<!tpu.dma_semaphore, #tpu.memory_space<semaphore_mem>>)
      %dma_wait3A_71 = arith.constant 0 : i32
      %dma_wait3A_72 = arith.constant 0 : i32
      %dma_wait3A_73 = tpu.memref_slice %arg4[%add3A, %dma_wait3A_71, %dma_wait3A_72] : memref<32x80x128xi32, #tpu.memory_space<hbm>> -> memref<1x40x128xi32, #tpu.memory_space<hbm>>
      %dma_wait3A_74 = tpu.memref_squeeze %dma_wait3A_73 : memref<1x40x128xi32, #tpu.memory_space<hbm>> -> memref<40x128xi32, #tpu.memory_space<hbm>>
      %dma_wait3A_75 = arith.constant 0 : i32
      %dma_wait3A_76 = arith.constant 0 : i32
      %dma_wait3A_77 = tpu.memref_slice %arg4[%add3A, %dma_wait3A_75, %dma_wait3A_76] : memref<32x80x128xi32, #tpu.memory_space<hbm>> -> memref<1x40x128xi32, #tpu.memory_space<hbm>>
      %dma_wait3A_78 = tpu.memref_squeeze %dma_wait3A_77 : memref<1x40x128xi32, #tpu.memory_space<hbm>> -> memref<40x128xi32, #tpu.memory_space<hbm>>
      tpu.wait_dma2 semaphore(%run_scoped3A : memref<!tpu.dma_semaphore, #tpu.memory_space<semaphore_mem>>) src(%dma_wait3A_78 : memref<40x128xi32, #tpu.memory_space<hbm>>) dst(%arg8 : memref<40x128xi32, #tpu.memory_space<vmem>>)
      tpu.yield
    }) : () -> ()
    %dma_start3A = arith.constant 0 : i32
    %dma_start3A_21 = arith.constant 0 : i32
    %dma_start3A_22 = tpu.memref_slice %arg7[%dma_start3A, %dma_start3A_21] : memref<40x128xi32, #tpu.memory_space<vmem>> -> memref<1x128xi32, #tpu.memory_space<vmem>>
    %dma_start3A_23 = tpu.memref_squeeze %dma_start3A_22 : memref<1x128xi32, #tpu.memory_space<vmem>> -> memref<128xi32, #tpu.memory_space<vmem>>
    %dma_start3A_24 = arith.constant 0 : i32
    %dma_start3A_25 = arith.constant 0 : i32
    %dma_start3A_26 = tpu.memref_slice %arg2[%dma_start3A_24, %dma_start3A_25] : memref<10000x128xf32, #tpu.memory_space<hbm>> -> memref<10000x128xf32, #tpu.memory_space<hbm>>
    tpu.enqueue_indirect_dma source(%dma_start3A_26 : memref<10000x128xf32, #tpu.memory_space<hbm>>) target(%arg9 : memref<128x128xf32, #tpu.memory_space<vmem>>) offsets(%dma_start3A_23 : memref<128xi32, #tpu.memory_space<vmem>>) semaphore(%arg12 : memref<!tpu.dma_semaphore, #tpu.memory_space<semaphore_mem>>)
    %scan3A = arith.constant 0 : i32
    %scan3A_27 = arith.constant 0 : i32
    %scan3A_28 = arith.constant 20 : i32
    %scan3A_29 = arith.addi %scan3A_27, %scan3A_28 : i32
    %scan3A_30 = arith.constant 1 : i32
    scf.for %scan3A_63 = %scan3A_27 to %scan3A_29 step %scan3A_30  : i32 {
      %mul3A_64 = arith.constant 2 : i32
      %mul3A_65 = arith.muli %mul3A_64, %scan3A_63 : i32
      %mul3A_66 = arith.constant 2 : i32
      %mul3A_67 = arith.muli %mul3A_66, %scan3A_63 : i32
      %add3A_68 = arith.constant 1 : i32
      %add3A_69 = arith.addi %mul3A_67, %add3A_68 : i32
      %dma_wait3A_70 = arith.constant 0 : i32
      %dma_wait3A_71 = tpu.memref_slice %arg7[%mul3A_65, %dma_wait3A_70] : memref<40x128xi32, #tpu.memory_space<vmem>> -> memref<1x128xi32, #tpu.memory_space<vmem>>
      %dma_wait3A_72 = tpu.memref_squeeze %dma_wait3A_71 : memref<1x128xi32, #tpu.memory_space<vmem>> -> memref<128xi32, #tpu.memory_space<vmem>>
      %dma_wait3A_73 = arith.constant 0 : i32
      %dma_wait3A_74 = arith.constant 0 : i32
      %dma_wait3A_75 = tpu.memref_slice %arg2[%dma_wait3A_73, %dma_wait3A_74] : memref<10000x128xf32, #tpu.memory_space<hbm>> -> memref<10000x128xf32, #tpu.memory_space<hbm>>
      tpu.wait_indirect_dma semaphore(%arg12 : memref<!tpu.dma_semaphore, #tpu.memory_space<semaphore_mem>>) src(%dma_wait3A_75 : memref<10000x128xf32, #tpu.memory_space<hbm>>) dst(%arg9 : memref<128x128xf32, #tpu.memory_space<vmem>>)
      %dma_start3A_76 = arith.constant 0 : i32
      %dma_start3A_77 = tpu.memref_slice %arg8[%mul3A_65, %dma_start3A_76] : memref<40x128xi32, #tpu.memory_space<vmem>> -> memref<1x128xi32, #tpu.memory_space<vmem>>
      %dma_start3A_78 = tpu.memref_squeeze %dma_start3A_77 : memref<1x128xi32, #tpu.memory_space<vmem>> -> memref<128xi32, #tpu.memory_space<vmem>>
      %dma_start3A_79 = arith.constant 0 : i32
      %dma_start3A_80 = arith.constant 0 : i32
      %dma_start3A_81 = tpu.memref_slice %arg11[%dma_start3A_79, %dma_start3A_80] : memref<10240x128xf32, #tpu.memory_space<vmem_shared>> -> memref<10240x128xf32, #tpu.memory_space<vmem_shared>>
      tpu.enqueue_indirect_dma source(%arg9 : memref<128x128xf32, #tpu.memory_space<vmem>>) target(%dma_start3A_81 : memref<10240x128xf32, #tpu.memory_space<vmem_shared>>) offsets(%dma_start3A_78 : memref<128xi32, #tpu.memory_space<vmem>>) semaphore(%arg14 : memref<!tpu.dma_semaphore, #tpu.memory_space<semaphore_mem>>) {add = true}
      %gt3A = arith.constant 0 : i32
      %gt3A_82 = arith.cmpi sgt, %scan3A_63, %gt3A : i32
      %convert_element_type3A = arith.extui %gt3A_82 : i1 to i32
      %cond3A = arith.constant 0 : i32
      %cond3A_83 = arith.cmpi ne, %convert_element_type3A, %cond3A : i32
      scf.if %cond3A_83 {
        %sub3A = arith.constant 2 : i32
        %sub3A_114 = arith.subi %add3A_69, %sub3A : i32
        %dma_wait3A_115 = arith.constant 0 : i32
        %dma_wait3A_116 = tpu.memref_slice %arg8[%sub3A_114, %dma_wait3A_115] : memref<40x128xi32, #tpu.memory_space<vmem>> -> memref<1x128xi32, #tpu.memory_space<vmem>>
        %dma_wait3A_117 = tpu.memref_squeeze %dma_wait3A_116 : memref<1x128xi32, #tpu.memory_space<vmem>> -> memref<128xi32, #tpu.memory_space<vmem>>
        %dma_wait3A_118 = arith.constant 0 : i32
        %dma_wait3A_119 = arith.constant 0 : i32
        %dma_wait3A_120 = tpu.memref_slice %arg11[%dma_wait3A_118, %dma_wait3A_119] : memref<10240x128xf32, #tpu.memory_space<vmem_shared>> -> memref<10240x128xf32, #tpu.memory_space<vmem_shared>>
        tpu.wait_indirect_dma semaphore(%arg15 : memref<!tpu.dma_semaphore, #tpu.memory_space<semaphore_mem>>) src(%arg10 : memref<128x128xf32, #tpu.memory_space<vmem>>) dst(%dma_wait3A_120 : memref<10240x128xf32, #tpu.memory_space<vmem_shared>>)
      } else {
      }
      %dma_start3A_84 = arith.constant 0 : i32
      %dma_start3A_85 = tpu.memref_slice %arg7[%add3A_69, %dma_start3A_84] : memref<40x128xi32, #tpu.memory_space<vmem>> -> memref<1x128xi32, #tpu.memory_space<vmem>>
      %dma_start3A_86 = tpu.memref_squeeze %dma_start3A_85 : memref<1x128xi32, #tpu.memory_space<vmem>> -> memref<128xi32, #tpu.memory_space<vmem>>
      %dma_start3A_87 = arith.constant 0 : i32
      %dma_start3A_88 = arith.constant 0 : i32
      %dma_start3A_89 = tpu.memref_slice %arg2[%dma_start3A_87, %dma_start3A_88] : memref<10000x128xf32, #tpu.memory_space<hbm>> -> memref<10000x128xf32, #tpu.memory_space<hbm>>
      tpu.enqueue_indirect_dma source(%dma_start3A_89 : memref<10000x128xf32, #tpu.memory_space<hbm>>) target(%arg10 : memref<128x128xf32, #tpu.memory_space<vmem>>) offsets(%dma_start3A_86 : memref<128xi32, #tpu.memory_space<vmem>>) semaphore(%arg13 : memref<!tpu.dma_semaphore, #tpu.memory_space<semaphore_mem>>)
      %dma_wait3A_90 = arith.constant 0 : i32
      %dma_wait3A_91 = tpu.memref_slice %arg7[%add3A_69, %dma_wait3A_90] : memref<40x128xi32, #tpu.memory_space<vmem>> -> memref<1x128xi32, #tpu.memory_space<vmem>>
      %dma_wait3A_92 = tpu.memref_squeeze %dma_wait3A_91 : memref<1x128xi32, #tpu.memory_space<vmem>> -> memref<128xi32, #tpu.memory_space<vmem>>
      %dma_wait3A_93 = arith.constant 0 : i32
      %dma_wait3A_94 = arith.constant 0 : i32
      %dma_wait3A_95 = tpu.memref_slice %arg2[%dma_wait3A_93, %dma_wait3A_94] : memref<10000x128xf32, #tpu.memory_space<hbm>> -> memref<10000x128xf32, #tpu.memory_space<hbm>>
      tpu.wait_indirect_dma semaphore(%arg13 : memref<!tpu.dma_semaphore, #tpu.memory_space<semaphore_mem>>) src(%dma_wait3A_95 : memref<10000x128xf32, #tpu.memory_space<hbm>>) dst(%arg10 : memref<128x128xf32, #tpu.memory_space<vmem>>)
      %dma_start3A_96 = arith.constant 0 : i32
      %dma_start3A_97 = tpu.memref_slice %arg8[%add3A_69, %dma_start3A_96] : memref<40x128xi32, #tpu.memory_space<vmem>> -> memref<1x128xi32, #tpu.memory_space<vmem>>
      %dma_start3A_98 = tpu.memref_squeeze %dma_start3A_97 : memref<1x128xi32, #tpu.memory_space<vmem>> -> memref<128xi32, #tpu.memory_space<vmem>>
      %dma_start3A_99 = arith.constant 0 : i32
      %dma_start3A_100 = arith.constant 0 : i32
      %dma_start3A_101 = tpu.memref_slice %arg11[%dma_start3A_99, %dma_start3A_100] : memref<10240x128xf32, #tpu.memory_space<vmem_shared>> -> memref<10240x128xf32, #tpu.memory_space<vmem_shared>>
      tpu.enqueue_indirect_dma source(%arg10 : memref<128x128xf32, #tpu.memory_space<vmem>>) target(%dma_start3A_101 : memref<10240x128xf32, #tpu.memory_space<vmem_shared>>) offsets(%dma_start3A_98 : memref<128xi32, #tpu.memory_space<vmem>>) semaphore(%arg15 : memref<!tpu.dma_semaphore, #tpu.memory_space<semaphore_mem>>) {add = true}
      %dma_wait3A_102 = arith.constant 0 : i32
      %dma_wait3A_103 = tpu.memref_slice %arg8[%mul3A_65, %dma_wait3A_102] : memref<40x128xi32, #tpu.memory_space<vmem>> -> memref<1x128xi32, #tpu.memory_space<vmem>>
      %dma_wait3A_104 = tpu.memref_squeeze %dma_wait3A_103 : memref<1x128xi32, #tpu.memory_space<vmem>> -> memref<128xi32, #tpu.memory_space<vmem>>
      %dma_wait3A_105 = arith.constant 0 : i32
      %dma_wait3A_106 = arith.constant 0 : i32
      %dma_wait3A_107 = tpu.memref_slice %arg11[%dma_wait3A_105, %dma_wait3A_106] : memref<10240x128xf32, #tpu.memory_space<vmem_shared>> -> memref<10240x128xf32, #tpu.memory_space<vmem_shared>>
      tpu.wait_indirect_dma semaphore(%arg14 : memref<!tpu.dma_semaphore, #tpu.memory_space<semaphore_mem>>) src(%arg9 : memref<128x128xf32, #tpu.memory_space<vmem>>) dst(%dma_wait3A_107 : memref<10240x128xf32, #tpu.memory_space<vmem_shared>>)
      %add3A_108 = arith.constant 2 : i32
      %add3A_109 = arith.addi %mul3A_65, %add3A_108 : i32
      %lt3A = arith.constant 40 : i32
      %lt3A_110 = arith.cmpi slt, %add3A_109, %lt3A : i32
      %convert_element_type3A_111 = arith.extui %lt3A_110 : i1 to i32
      %cond3A_112 = arith.constant 0 : i32
      %cond3A_113 = arith.cmpi ne, %convert_element_type3A_111, %cond3A_112 : i32
      scf.if %cond3A_113 {
        %add3A_114 = arith.constant 2 : i32
        %add3A_115 = arith.addi %mul3A_65, %add3A_114 : i32
        %dma_start3A_116 = arith.constant 0 : i32
        %dma_start3A_117 = tpu.memref_slice %arg7[%add3A_115, %dma_start3A_116] : memref<40x128xi32, #tpu.memory_space<vmem>> -> memref<1x128xi32, #tpu.memory_space<vmem>>
        %dma_start3A_118 = tpu.memref_squeeze %dma_start3A_117 : memref<1x128xi32, #tpu.memory_space<vmem>> -> memref<128xi32, #tpu.memory_space<vmem>>
        %dma_start3A_119 = arith.constant 0 : i32
        %dma_start3A_120 = arith.constant 0 : i32
        %dma_start3A_121 = tpu.memref_slice %arg2[%dma_start3A_119, %dma_start3A_120] : memref<10000x128xf32, #tpu.memory_space<hbm>> -> memref<10000x128xf32, #tpu.memory_space<hbm>>
        tpu.enqueue_indirect_dma source(%dma_start3A_121 : memref<10000x128xf32, #tpu.memory_space<hbm>>) target(%arg9 : memref<128x128xf32, #tpu.memory_space<vmem>>) offsets(%dma_start3A_118 : memref<128xi32, #tpu.memory_space<vmem>>) semaphore(%arg12 : memref<!tpu.dma_semaphore, #tpu.memory_space<semaphore_mem>>)
      } else {
      }
    }
    %scan3A_31 = arith.constant 20 : i32
    %dma_wait3A = arith.constant 39 : i32
    %dma_wait3A_32 = arith.constant 0 : i32
    %dma_wait3A_33 = tpu.memref_slice %arg8[%dma_wait3A, %dma_wait3A_32] : memref<40x128xi32, #tpu.memory_space<vmem>> -> memref<1x128xi32, #tpu.memory_space<vmem>>
    %dma_wait3A_34 = tpu.memref_squeeze %dma_wait3A_33 : memref<1x128xi32, #tpu.memory_space<vmem>> -> memref<128xi32, #tpu.memory_space<vmem>>
    %dma_wait3A_35 = arith.constant 0 : i32
    %dma_wait3A_36 = arith.constant 0 : i32
    %dma_wait3A_37 = tpu.memref_slice %arg11[%dma_wait3A_35, %dma_wait3A_36] : memref<10240x128xf32, #tpu.memory_space<vmem_shared>> -> memref<10240x128xf32, #tpu.memory_space<vmem_shared>>
    tpu.wait_indirect_dma semaphore(%arg15 : memref<!tpu.dma_semaphore, #tpu.memory_space<semaphore_mem>>) src(%arg10 : memref<128x128xf32, #tpu.memory_space<vmem>>) dst(%dma_wait3A_37 : memref<10240x128xf32, #tpu.memory_space<vmem_shared>>)
    "tpu.region"() ({
      %run_scoped3A = tpu.sem_alloc : memref<!tpu.dma_semaphore, #tpu.memory_space<semaphore_mem>>
      %dma_start3A_63 = arith.constant 40 : i32
      %dma_start3A_64 = arith.constant 0 : i32
      %dma_start3A_65 = tpu.memref_slice %arg3[%add3A, %dma_start3A_63, %dma_start3A_64] : memref<32x80x128xi32, #tpu.memory_space<hbm>> -> memref<1x40x128xi32, #tpu.memory_space<hbm>>
      %dma_start3A_66 = tpu.memref_squeeze %dma_start3A_65 : memref<1x40x128xi32, #tpu.memory_space<hbm>> -> memref<40x128xi32, #tpu.memory_space<hbm>>
      %dma_start3A_67 = arith.constant 40 : i32
      %dma_start3A_68 = arith.constant 0 : i32
      %dma_start3A_69 = tpu.memref_slice %arg3[%add3A, %dma_start3A_67, %dma_start3A_68] : memref<32x80x128xi32, #tpu.memory_space<hbm>> -> memref<1x40x128xi32, #tpu.memory_space<hbm>>
      %dma_start3A_70 = tpu.memref_squeeze %dma_start3A_69 : memref<1x40x128xi32, #tpu.memory_space<hbm>> -> memref<40x128xi32, #tpu.memory_space<hbm>>
      tpu.enqueue_dma source(%dma_start3A_70 : memref<40x128xi32, #tpu.memory_space<hbm>>) target(%arg7 : memref<40x128xi32, #tpu.memory_space<vmem>>) target_semaphore(%run_scoped3A : memref<!tpu.dma_semaphore, #tpu.memory_space<semaphore_mem>>)
      %dma_wait3A_71 = arith.constant 40 : i32
      %dma_wait3A_72 = arith.constant 0 : i32
      %dma_wait3A_73 = tpu.memref_slice %arg3[%add3A, %dma_wait3A_71, %dma_wait3A_72] : memref<32x80x128xi32, #tpu.memory_space<hbm>> -> memref<1x40x128xi32, #tpu.memory_space<hbm>>
      %dma_wait3A_74 = tpu.memref_squeeze %dma_wait3A_73 : memref<1x40x128xi32, #tpu.memory_space<hbm>> -> memref<40x128xi32, #tpu.memory_space<hbm>>
      %dma_wait3A_75 = arith.constant 40 : i32
      %dma_wait3A_76 = arith.constant 0 : i32
      %dma_wait3A_77 = tpu.memref_slice %arg3[%add3A, %dma_wait3A_75, %dma_wait3A_76] : memref<32x80x128xi32, #tpu.memory_space<hbm>> -> memref<1x40x128xi32, #tpu.memory_space<hbm>>
      %dma_wait3A_78 = tpu.memref_squeeze %dma_wait3A_77 : memref<1x40x128xi32, #tpu.memory_space<hbm>> -> memref<40x128xi32, #tpu.memory_space<hbm>>
      tpu.wait_dma2 semaphore(%run_scoped3A : memref<!tpu.dma_semaphore, #tpu.memory_space<semaphore_mem>>) src(%dma_wait3A_78 : memref<40x128xi32, #tpu.memory_space<hbm>>) dst(%arg7 : memref<40x128xi32, #tpu.memory_space<vmem>>)
      tpu.yield
    }) : () -> ()
    "tpu.region"() ({
      %run_scoped3A = tpu.sem_alloc : memref<!tpu.dma_semaphore, #tpu.memory_space<semaphore_mem>>
      %dma_start3A_63 = arith.constant 40 : i32
      %dma_start3A_64 = arith.constant 0 : i32
      %dma_start3A_65 = tpu.memref_slice %arg4[%add3A, %dma_start3A_63, %dma_start3A_64] : memref<32x80x128xi32, #tpu.memory_space<hbm>> -> memref<1x40x128xi32, #tpu.memory_space<hbm>>
      %dma_start3A_66 = tpu.memref_squeeze %dma_start3A_65 : memref<1x40x128xi32, #tpu.memory_space<hbm>> -> memref<40x128xi32, #tpu.memory_space<hbm>>
      %dma_start3A_67 = arith.constant 40 : i32
      %dma_start3A_68 = arith.constant 0 : i32
      %dma_start3A_69 = tpu.memref_slice %arg4[%add3A, %dma_start3A_67, %dma_start3A_68] : memref<32x80x128xi32, #tpu.memory_space<hbm>> -> memref<1x40x128xi32, #tpu.memory_space<hbm>>
      %dma_start3A_70 = tpu.memref_squeeze %dma_start3A_69 : memref<1x40x128xi32, #tpu.memory_space<hbm>> -> memref<40x128xi32, #tpu.memory_space<hbm>>
      tpu.enqueue_dma source(%dma_start3A_70 : memref<40x128xi32, #tpu.memory_space<hbm>>) target(%arg8 : memref<40x128xi32, #tpu.memory_space<vmem>>) target_semaphore(%run_scoped3A : memref<!tpu.dma_semaphore, #tpu.memory_space<semaphore_mem>>)
      %dma_wait3A_71 = arith.constant 40 : i32
      %dma_wait3A_72 = arith.constant 0 : i32
      %dma_wait3A_73 = tpu.memref_slice %arg4[%add3A, %dma_wait3A_71, %dma_wait3A_72] : memref<32x80x128xi32, #tpu.memory_space<hbm>> -> memref<1x40x128xi32, #tpu.memory_space<hbm>>
      %dma_wait3A_74 = tpu.memref_squeeze %dma_wait3A_73 : memref<1x40x128xi32, #tpu.memory_space<hbm>> -> memref<40x128xi32, #tpu.memory_space<hbm>>
      %dma_wait3A_75 = arith.constant 40 : i32
      %dma_wait3A_76 = arith.constant 0 : i32
      %dma_wait3A_77 = tpu.memref_slice %arg4[%add3A, %dma_wait3A_75, %dma_wait3A_76] : memref<32x80x128xi32, #tpu.memory_space<hbm>> -> memref<1x40x128xi32, #tpu.memory_space<hbm>>
      %dma_wait3A_78 = tpu.memref_squeeze %dma_wait3A_77 : memref<1x40x128xi32, #tpu.memory_space<hbm>> -> memref<40x128xi32, #tpu.memory_space<hbm>>
      tpu.wait_dma2 semaphore(%run_scoped3A : memref<!tpu.dma_semaphore, #tpu.memory_space<semaphore_mem>>) src(%dma_wait3A_78 : memref<40x128xi32, #tpu.memory_space<hbm>>) dst(%arg8 : memref<40x128xi32, #tpu.memory_space<vmem>>)
      tpu.yield
    }) : () -> ()
    %dma_start3A_38 = arith.constant 0 : i32
    %dma_start3A_39 = arith.constant 0 : i32
    %dma_start3A_40 = tpu.memref_slice %arg7[%dma_start3A_38, %dma_start3A_39] : memref<40x128xi32, #tpu.memory_space<vmem>> -> memref<1x128xi32, #tpu.memory_space<vmem>>
    %dma_start3A_41 = tpu.memref_squeeze %dma_start3A_40 : memref<1x128xi32, #tpu.memory_space<vmem>> -> memref<128xi32, #tpu.memory_space<vmem>>
    %dma_start3A_42 = arith.constant 0 : i32
    %dma_start3A_43 = arith.constant 0 : i32
    %dma_start3A_44 = tpu.memref_slice %arg2[%dma_start3A_42, %dma_start3A_43] : memref<10000x128xf32, #tpu.memory_space<hbm>> -> memref<10000x128xf32, #tpu.memory_space<hbm>>
    tpu.enqueue_indirect_dma source(%dma_start3A_44 : memref<10000x128xf32, #tpu.memory_space<hbm>>) target(%arg9 : memref<128x128xf32, #tpu.memory_space<vmem>>) offsets(%dma_start3A_41 : memref<128xi32, #tpu.memory_space<vmem>>) semaphore(%arg12 : memref<!tpu.dma_semaphore, #tpu.memory_space<semaphore_mem>>)
    %scan3A_45 = arith.constant 0 : i32
    %scan3A_46 = arith.constant 0 : i32
    %scan3A_47 = arith.constant 20 : i32
    %scan3A_48 = arith.addi %scan3A_46, %scan3A_47 : i32
    %scan3A_49 = arith.constant 1 : i32
    scf.for %scan3A_63 = %scan3A_46 to %scan3A_48 step %scan3A_49  : i32 {
      %mul3A_64 = arith.constant 2 : i32
      %mul3A_65 = arith.muli %mul3A_64, %scan3A_63 : i32
      %mul3A_66 = arith.constant 2 : i32
      %mul3A_67 = arith.muli %mul3A_66, %scan3A_63 : i32
      %add3A_68 = arith.constant 1 : i32
      %add3A_69 = arith.addi %mul3A_67, %add3A_68 : i32
      %dma_wait3A_70 = arith.constant 0 : i32
      %dma_wait3A_71 = tpu.memref_slice %arg7[%mul3A_65, %dma_wait3A_70] : memref<40x128xi32, #tpu.memory_space<vmem>> -> memref<1x128xi32, #tpu.memory_space<vmem>>
      %dma_wait3A_72 = tpu.memref_squeeze %dma_wait3A_71 : memref<1x128xi32, #tpu.memory_space<vmem>> -> memref<128xi32, #tpu.memory_space<vmem>>
      %dma_wait3A_73 = arith.constant 0 : i32
      %dma_wait3A_74 = arith.constant 0 : i32
      %dma_wait3A_75 = tpu.memref_slice %arg2[%dma_wait3A_73, %dma_wait3A_74] : memref<10000x128xf32, #tpu.memory_space<hbm>> -> memref<10000x128xf32, #tpu.memory_space<hbm>>
      tpu.wait_indirect_dma semaphore(%arg12 : memref<!tpu.dma_semaphore, #tpu.memory_space<semaphore_mem>>) src(%dma_wait3A_75 : memref<10000x128xf32, #tpu.memory_space<hbm>>) dst(%arg9 : memref<128x128xf32, #tpu.memory_space<vmem>>)
      %dma_start3A_76 = arith.constant 0 : i32
      %dma_start3A_77 = tpu.memref_slice %arg8[%mul3A_65, %dma_start3A_76] : memref<40x128xi32, #tpu.memory_space<vmem>> -> memref<1x128xi32, #tpu.memory_space<vmem>>
      %dma_start3A_78 = tpu.memref_squeeze %dma_start3A_77 : memref<1x128xi32, #tpu.memory_space<vmem>> -> memref<128xi32, #tpu.memory_space<vmem>>
      %dma_start3A_79 = arith.constant 0 : i32
      %dma_start3A_80 = arith.constant 0 : i32
      %dma_start3A_81 = tpu.memref_slice %arg11[%dma_start3A_79, %dma_start3A_80] : memref<10240x128xf32, #tpu.memory_space<vmem_shared>> -> memref<10240x128xf32, #tpu.memory_space<vmem_shared>>
      tpu.enqueue_indirect_dma source(%arg9 : memref<128x128xf32, #tpu.memory_space<vmem>>) target(%dma_start3A_81 : memref<10240x128xf32, #tpu.memory_space<vmem_shared>>) offsets(%dma_start3A_78 : memref<128xi32, #tpu.memory_space<vmem>>) semaphore(%arg14 : memref<!tpu.dma_semaphore, #tpu.memory_space<semaphore_mem>>) {add = true}
      %gt3A = arith.constant 0 : i32
      %gt3A_82 = arith.cmpi sgt, %scan3A_63, %gt3A : i32
      %convert_element_type3A = arith.extui %gt3A_82 : i1 to i32
      %cond3A = arith.constant 0 : i32
      %cond3A_83 = arith.cmpi ne, %convert_element_type3A, %cond3A : i32
      scf.if %cond3A_83 {
        %sub3A = arith.constant 2 : i32
        %sub3A_114 = arith.subi %add3A_69, %sub3A : i32
        %dma_wait3A_115 = arith.constant 0 : i32
        %dma_wait3A_116 = tpu.memref_slice %arg8[%sub3A_114, %dma_wait3A_115] : memref<40x128xi32, #tpu.memory_space<vmem>> -> memref<1x128xi32, #tpu.memory_space<vmem>>
        %dma_wait3A_117 = tpu.memref_squeeze %dma_wait3A_116 : memref<1x128xi32, #tpu.memory_space<vmem>> -> memref<128xi32, #tpu.memory_space<vmem>>
        %dma_wait3A_118 = arith.constant 0 : i32
        %dma_wait3A_119 = arith.constant 0 : i32
        %dma_wait3A_120 = tpu.memref_slice %arg11[%dma_wait3A_118, %dma_wait3A_119] : memref<10240x128xf32, #tpu.memory_space<vmem_shared>> -> memref<10240x128xf32, #tpu.memory_space<vmem_shared>>
        tpu.wait_indirect_dma semaphore(%arg15 : memref<!tpu.dma_semaphore, #tpu.memory_space<semaphore_mem>>) src(%arg10 : memref<128x128xf32, #tpu.memory_space<vmem>>) dst(%dma_wait3A_120 : memref<10240x128xf32, #tpu.memory_space<vmem_shared>>)
      } else {
      }
      %dma_start3A_84 = arith.constant 0 : i32
      %dma_start3A_85 = tpu.memref_slice %arg7[%add3A_69, %dma_start3A_84] : memref<40x128xi32, #tpu.memory_space<vmem>> -> memref<1x128xi32, #tpu.memory_space<vmem>>
      %dma_start3A_86 = tpu.memref_squeeze %dma_start3A_85 : memref<1x128xi32, #tpu.memory_space<vmem>> -> memref<128xi32, #tpu.memory_space<vmem>>
      %dma_start3A_87 = arith.constant 0 : i32
      %dma_start3A_88 = arith.constant 0 : i32
      %dma_start3A_89 = tpu.memref_slice %arg2[%dma_start3A_87, %dma_start3A_88] : memref<10000x128xf32, #tpu.memory_space<hbm>> -> memref<10000x128xf32, #tpu.memory_space<hbm>>
      tpu.enqueue_indirect_dma source(%dma_start3A_89 : memref<10000x128xf32, #tpu.memory_space<hbm>>) target(%arg10 : memref<128x128xf32, #tpu.memory_space<vmem>>) offsets(%dma_start3A_86 : memref<128xi32, #tpu.memory_space<vmem>>) semaphore(%arg13 : memref<!tpu.dma_semaphore, #tpu.memory_space<semaphore_mem>>)
      %dma_wait3A_90 = arith.constant 0 : i32
      %dma_wait3A_91 = tpu.memref_slice %arg7[%add3A_69, %dma_wait3A_90] : memref<40x128xi32, #tpu.memory_space<vmem>> -> memref<1x128xi32, #tpu.memory_space<vmem>>
      %dma_wait3A_92 = tpu.memref_squeeze %dma_wait3A_91 : memref<1x128xi32, #tpu.memory_space<vmem>> -> memref<128xi32, #tpu.memory_space<vmem>>
      %dma_wait3A_93 = arith.constant 0 : i32
      %dma_wait3A_94 = arith.constant 0 : i32
      %dma_wait3A_95 = tpu.memref_slice %arg2[%dma_wait3A_93, %dma_wait3A_94] : memref<10000x128xf32, #tpu.memory_space<hbm>> -> memref<10000x128xf32, #tpu.memory_space<hbm>>
      tpu.wait_indirect_dma semaphore(%arg13 : memref<!tpu.dma_semaphore, #tpu.memory_space<semaphore_mem>>) src(%dma_wait3A_95 : memref<10000x128xf32, #tpu.memory_space<hbm>>) dst(%arg10 : memref<128x128xf32, #tpu.memory_space<vmem>>)
      %dma_start3A_96 = arith.constant 0 : i32
      %dma_start3A_97 = tpu.memref_slice %arg8[%add3A_69, %dma_start3A_96] : memref<40x128xi32, #tpu.memory_space<vmem>> -> memref<1x128xi32, #tpu.memory_space<vmem>>
      %dma_start3A_98 = tpu.memref_squeeze %dma_start3A_97 : memref<1x128xi32, #tpu.memory_space<vmem>> -> memref<128xi32, #tpu.memory_space<vmem>>
      %dma_start3A_99 = arith.constant 0 : i32
      %dma_start3A_100 = arith.constant 0 : i32
      %dma_start3A_101 = tpu.memref_slice %arg11[%dma_start3A_99, %dma_start3A_100] : memref<10240x128xf32, #tpu.memory_space<vmem_shared>> -> memref<10240x128xf32, #tpu.memory_space<vmem_shared>>
      tpu.enqueue_indirect_dma source(%arg10 : memref<128x128xf32, #tpu.memory_space<vmem>>) target(%dma_start3A_101 : memref<10240x128xf32, #tpu.memory_space<vmem_shared>>) offsets(%dma_start3A_98 : memref<128xi32, #tpu.memory_space<vmem>>) semaphore(%arg15 : memref<!tpu.dma_semaphore, #tpu.memory_space<semaphore_mem>>) {add = true}
      %dma_wait3A_102 = arith.constant 0 : i32
      %dma_wait3A_103 = tpu.memref_slice %arg8[%mul3A_65, %dma_wait3A_102] : memref<40x128xi32, #tpu.memory_space<vmem>> -> memref<1x128xi32, #tpu.memory_space<vmem>>
      %dma_wait3A_104 = tpu.memref_squeeze %dma_wait3A_103 : memref<1x128xi32, #tpu.memory_space<vmem>> -> memref<128xi32, #tpu.memory_space<vmem>>
      %dma_wait3A_105 = arith.constant 0 : i32
      %dma_wait3A_106 = arith.constant 0 : i32
      %dma_wait3A_107 = tpu.memref_slice %arg11[%dma_wait3A_105, %dma_wait3A_106] : memref<10240x128xf32, #tpu.memory_space<vmem_shared>> -> memref<10240x128xf32, #tpu.memory_space<vmem_shared>>
      tpu.wait_indirect_dma semaphore(%arg14 : memref<!tpu.dma_semaphore, #tpu.memory_space<semaphore_mem>>) src(%arg9 : memref<128x128xf32, #tpu.memory_space<vmem>>) dst(%dma_wait3A_107 : memref<10240x128xf32, #tpu.memory_space<vmem_shared>>)
      %add3A_108 = arith.constant 2 : i32
      %add3A_109 = arith.addi %mul3A_65, %add3A_108 : i32
      %lt3A = arith.constant 40 : i32
      %lt3A_110 = arith.cmpi slt, %add3A_109, %lt3A : i32
      %convert_element_type3A_111 = arith.extui %lt3A_110 : i1 to i32
      %cond3A_112 = arith.constant 0 : i32
      %cond3A_113 = arith.cmpi ne, %convert_element_type3A_111, %cond3A_112 : i32
      scf.if %cond3A_113 {
        %add3A_114 = arith.constant 2 : i32
        %add3A_115 = arith.addi %mul3A_65, %add3A_114 : i32
        %dma_start3A_116 = arith.constant 0 : i32
        %dma_start3A_117 = tpu.memref_slice %arg7[%add3A_115, %dma_start3A_116] : memref<40x128xi32, #tpu.memory_space<vmem>> -> memref<1x128xi32, #tpu.memory_space<vmem>>
        %dma_start3A_118 = tpu.memref_squeeze %dma_start3A_117 : memref<1x128xi32, #tpu.memory_space<vmem>> -> memref<128xi32, #tpu.memory_space<vmem>>
        %dma_start3A_119 = arith.constant 0 : i32
        %dma_start3A_120 = arith.constant 0 : i32
        %dma_start3A_121 = tpu.memref_slice %arg2[%dma_start3A_119, %dma_start3A_120] : memref<10000x128xf32, #tpu.memory_space<hbm>> -> memref<10000x128xf32, #tpu.memory_space<hbm>>
        tpu.enqueue_indirect_dma source(%dma_start3A_121 : memref<10000x128xf32, #tpu.memory_space<hbm>>) target(%arg9 : memref<128x128xf32, #tpu.memory_space<vmem>>) offsets(%dma_start3A_118 : memref<128xi32, #tpu.memory_space<vmem>>) semaphore(%arg12 : memref<!tpu.dma_semaphore, #tpu.memory_space<semaphore_mem>>)
      } else {
      }
    }
    %scan3A_50 = arith.constant 20 : i32
    %dma_wait3A_51 = arith.constant 39 : i32
    %dma_wait3A_52 = arith.constant 0 : i32
    %dma_wait3A_53 = tpu.memref_slice %arg8[%dma_wait3A_51, %dma_wait3A_52] : memref<40x128xi32, #tpu.memory_space<vmem>> -> memref<1x128xi32, #tpu.memory_space<vmem>>
    %dma_wait3A_54 = tpu.memref_squeeze %dma_wait3A_53 : memref<1x128xi32, #tpu.memory_space<vmem>> -> memref<128xi32, #tpu.memory_space<vmem>>
    %dma_wait3A_55 = arith.constant 0 : i32
    %dma_wait3A_56 = arith.constant 0 : i32
    %dma_wait3A_57 = tpu.memref_slice %arg11[%dma_wait3A_55, %dma_wait3A_56] : memref<10240x128xf32, #tpu.memory_space<vmem_shared>> -> memref<10240x128xf32, #tpu.memory_space<vmem_shared>>
    tpu.wait_indirect_dma semaphore(%arg15 : memref<!tpu.dma_semaphore, #tpu.memory_space<semaphore_mem>>) src(%arg10 : memref<128x128xf32, #tpu.memory_space<vmem>>) dst(%dma_wait3A_57 : memref<10240x128xf32, #tpu.memory_space<vmem_shared>>)
    %barrier3A_58 = arith.constant 0 : index
    tpu.barrier barrier_id(%barrier3A_58)
    %mul3A_59 = arith.constant 640 : i32
    %mul3A_60 = arith.muli %arg1, %mul3A_59 : i32
    %mul3A_61 = arith.constant 640 : i32
    %mul3A_62 = arith.muli %arg1, %mul3A_61 : i32
    "tpu.region"() ({
      %run_scoped3A = tpu.sem_alloc : memref<!tpu.dma_semaphore, #tpu.memory_space<semaphore_mem>>
      %dma_start3A_63 = arith.constant 0 : i32
      %dma_start3A_64 = tpu.memref_slice %arg6[%arg0, %mul3A_62, %dma_start3A_63] : memref<2x10240x128xf32, #tpu.memory_space<hbm>> -> memref<1x640x128xf32, #tpu.memory_space<hbm>>
      %dma_start3A_65 = tpu.memref_squeeze %dma_start3A_64 : memref<1x640x128xf32, #tpu.memory_space<hbm>> -> memref<640x128xf32, #tpu.memory_space<hbm>>
      %dma_start3A_66 = arith.constant 0 : i32
      %dma_start3A_67 = tpu.memref_slice %arg11[%mul3A_60, %dma_start3A_66] : memref<10240x128xf32, #tpu.memory_space<vmem_shared>> -> memref<640x128xf32, #tpu.memory_space<vmem_shared>>
      tpu.enqueue_dma source(%dma_start3A_67 : memref<640x128xf32, #tpu.memory_space<vmem_shared>>) target(%dma_start3A_65 : memref<640x128xf32, #tpu.memory_space<hbm>>) target_semaphore(%run_scoped3A : memref<!tpu.dma_semaphore, #tpu.memory_space<semaphore_mem>>)
      %dma_wait3A_68 = arith.constant 0 : i32
      %dma_wait3A_69 = tpu.memref_slice %arg6[%arg0, %mul3A_62, %dma_wait3A_68] : memref<2x10240x128xf32, #tpu.memory_space<hbm>> -> memref<1x640x128xf32, #tpu.memory_space<hbm>>
      %dma_wait3A_70 = tpu.memref_squeeze %dma_wait3A_69 : memref<1x640x128xf32, #tpu.memory_space<hbm>> -> memref<640x128xf32, #tpu.memory_space<hbm>>
      %dma_wait3A_71 = arith.constant 0 : i32
      %dma_wait3A_72 = tpu.memref_slice %arg11[%mul3A_60, %dma_wait3A_71] : memref<10240x128xf32, #tpu.memory_space<vmem_shared>> -> memref<640x128xf32, #tpu.memory_space<vmem_shared>>
      tpu.wait_dma2 semaphore(%run_scoped3A : memref<!tpu.dma_semaphore, #tpu.memory_space<semaphore_mem>>) src(%dma_wait3A_72 : memref<640x128xf32, #tpu.memory_space<vmem_shared>>) dst(%dma_wait3A_70 : memref<640x128xf32, #tpu.memory_space<hbm>>)
      tpu.yield
    }) : () -> ()
    return
  }
}

module attributes {stable_mosaic.version = 14 : i64} {
  func.func @_tc1_body(%arg0: memref<2x10240x16xf32, #tpu.memory_space<vmem>>, %arg1: memref<10000x128xf32, #tpu.memory_space<vmem>>, %arg2: memref<128x128xf32, #tpu.memory_space<vmem>>, %arg3: memref<10000x128xf32, #tpu.memory_space<vmem>>, %arg4: memref<10000x1xf32, #tpu.memory_space<vmem>>) attributes {dimension_semantics = [], scalar_prefetch = 0 : i64, scratch_operands = 0 : i64, tpu.core_type = #tpu.core_type<tc>} {
    %get3A = arith.constant 0 : index
    %get3A_0 = arith.constant 0 : index
    %get3A_1 = arith.constant 0 : index
    %get3A_2 = vector.load %arg0[%get3A, %get3A_0, %get3A_1] : memref<2x10240x16xf32, #tpu.memory_space<vmem>>, vector<1x10000x1xf32>
    %get3A_3 = vector.shape_cast %get3A_2 : vector<1x10000x1xf32> to vector<10000x1xf32>
    %get3A_4 = arith.constant 1 : index
    %get3A_5 = arith.constant 0 : index
    %get3A_6 = arith.constant 0 : index
    %get3A_7 = vector.load %arg0[%get3A_4, %get3A_5, %get3A_6] : memref<2x10240x16xf32, #tpu.memory_space<vmem>>, vector<1x10000x1xf32>
    %get3A_8 = vector.shape_cast %get3A_7 : vector<1x10000x1xf32> to vector<10000x1xf32>
    %add3A = arith.addf %get3A_3, %get3A_8 : vector<10000x1xf32>
    %add3A_9 = arith.constant 1.000000e+00 : f32
    %add3A_10 = vector.broadcast %add3A_9 : f32 to vector<10000x1xf32>
    %add3A_11 = arith.addf %add3A, %add3A_10 : vector<10000x1xf32>
    %rsqrt3A = math.rsqrt %add3A_11 : vector<10000x1xf32>
    %get3A_12 = arith.constant 0 : index
    %get3A_13 = arith.constant 0 : index
    %get3A_14 = vector.load %arg1[%get3A_12, %get3A_13] : memref<10000x128xf32, #tpu.memory_space<vmem>>, vector<10000x128xf32>
    %get3A_15 = arith.constant 0 : index
    %get3A_16 = arith.constant 0 : index
    %get3A_17 = vector.load %arg2[%get3A_15, %get3A_16] : memref<128x128xf32, #tpu.memory_space<vmem>>, vector<128x128xf32>
    %dot_general3A = arith.constant dense<0.000000e+00> : vector<10000x128xf32>
    %dot_general3A_18 = tpu.matmul %get3A_14, %get3A_17, %dot_general3A {dimension_numbers = #tpu.dot_dimension_numbers<[1], [0], [0], [1], [0, 0, 1, 1], [], []>, transpose_lhs_hint = false} : vector<10000x128xf32>, vector<128x128xf32>, vector<10000x128xf32> -> vector<10000x128xf32>
    %mul3A = vector.broadcast %rsqrt3A : vector<10000x1xf32> to vector<10000x128xf32>
    %mul3A_19 = arith.mulf %dot_general3A_18, %mul3A : vector<10000x128xf32>
    %swap3A = arith.constant 0 : index
    %swap3A_20 = arith.constant 0 : index
    %swap3A_21 = vector.load %arg3[%swap3A, %swap3A_20] : memref<10000x128xf32, #tpu.memory_space<vmem>>, vector<10000x128xf32>
    tpu.vector_store %arg3[%swap3A, %swap3A_20], %mul3A_19 {strides = array<i32>} : memref<10000x128xf32, #tpu.memory_space<vmem>>, vector<10000x128xf32>,
    %swap3A_22 = arith.constant 0 : index
    %swap3A_23 = arith.constant 0 : index
    %swap3A_24 = vector.load %arg4[%swap3A_22, %swap3A_23] : memref<10000x1xf32, #tpu.memory_space<vmem>>, vector<10000x1xf32>
    tpu.vector_store %arg4[%swap3A_22, %swap3A_23], %rsqrt3A {strides = array<i32>} : memref<10000x1xf32, #tpu.memory_space<vmem>>, vector<10000x1xf32>,
    return
  }
}

module attributes {stable_mosaic.version = 14 : i64} {
  func.func @_tc2_body(%arg0: memref<2x10240x128xf32, #tpu.memory_space<vmem>>, %arg1: memref<10000x128xf32, #tpu.memory_space<vmem>>, %arg2: memref<10000x1xf32, #tpu.memory_space<vmem>>, %arg3: memref<1x128xf32, #tpu.memory_space<vmem>>, %arg4: memref<128x64xf32, #tpu.memory_space<vmem>>, %arg5: memref<10000x64xf32, #tpu.memory_space<vmem>>) attributes {dimension_semantics = [], scalar_prefetch = 0 : i64, scratch_operands = 0 : i64, tpu.core_type = #tpu.core_type<tc>} {
    %get3A = arith.constant 0 : index
    %get3A_0 = arith.constant 0 : index
    %get3A_1 = arith.constant 0 : index
    %get3A_2 = vector.load %arg0[%get3A, %get3A_0, %get3A_1] : memref<2x10240x128xf32, #tpu.memory_space<vmem>>, vector<1x10000x128xf32>
    %get3A_3 = vector.shape_cast %get3A_2 : vector<1x10000x128xf32> to vector<10000x128xf32>
    %get3A_4 = arith.constant 1 : index
    %get3A_5 = arith.constant 0 : index
    %get3A_6 = arith.constant 0 : index
    %get3A_7 = vector.load %arg0[%get3A_4, %get3A_5, %get3A_6] : memref<2x10240x128xf32, #tpu.memory_space<vmem>>, vector<1x10000x128xf32>
    %get3A_8 = vector.shape_cast %get3A_7 : vector<1x10000x128xf32> to vector<10000x128xf32>
    %add3A = arith.addf %get3A_3, %get3A_8 : vector<10000x128xf32>
    %get3A_9 = arith.constant 0 : index
    %get3A_10 = arith.constant 0 : index
    %get3A_11 = vector.load %arg1[%get3A_9, %get3A_10] : memref<10000x128xf32, #tpu.memory_space<vmem>>, vector<10000x128xf32>
    %add3A_12 = arith.addf %add3A, %get3A_11 : vector<10000x128xf32>
    %get3A_13 = arith.constant 0 : index
    %get3A_14 = arith.constant 0 : index
    %get3A_15 = vector.load %arg2[%get3A_13, %get3A_14] : memref<10000x1xf32, #tpu.memory_space<vmem>>, vector<10000x1xf32>
    %mul3A = vector.broadcast %get3A_15 : vector<10000x1xf32> to vector<10000x128xf32>
    %mul3A_16 = arith.mulf %mul3A, %add3A_12 : vector<10000x128xf32>
    %get3A_17 = arith.constant 0 : index
    %get3A_18 = arith.constant 0 : index
    %get3A_19 = vector.load %arg3[%get3A_17, %get3A_18] : memref<1x128xf32, #tpu.memory_space<vmem>>, vector<1x128xf32>
    %add3A_20 = vector.broadcast %get3A_19 : vector<1x128xf32> to vector<10000x128xf32>
    %add3A_21 = arith.addf %mul3A_16, %add3A_20 : vector<10000x128xf32>
    %max3A = arith.constant 0.000000e+00 : f32
    %max3A_22 = vector.broadcast %max3A : f32 to vector<10000x128xf32>
    %max3A_23 = arith.maximumf %add3A_21, %max3A_22 : vector<10000x128xf32>
    %get3A_24 = arith.constant 0 : index
    %get3A_25 = arith.constant 0 : index
    %get3A_26 = vector.load %arg2[%get3A_24, %get3A_25] : memref<10000x1xf32, #tpu.memory_space<vmem>>, vector<10000x1xf32>
    %get3A_27 = arith.constant 0 : index
    %get3A_28 = arith.constant 0 : index
    %get3A_29 = vector.load %arg4[%get3A_27, %get3A_28] : memref<128x64xf32, #tpu.memory_space<vmem>>, vector<128x64xf32>
    %dot_general3A = arith.constant dense<0.000000e+00> : vector<10000x64xf32>
    %dot_general3A_30 = tpu.matmul %max3A_23, %get3A_29, %dot_general3A {dimension_numbers = #tpu.dot_dimension_numbers<[1], [0], [0], [1], [0, 0, 1, 1], [], []>, transpose_lhs_hint = false} : vector<10000x128xf32>, vector<128x64xf32>, vector<10000x64xf32> -> vector<10000x64xf32>
    %mul3A_31 = vector.broadcast %get3A_26 : vector<10000x1xf32> to vector<10000x64xf32>
    %mul3A_32 = arith.mulf %mul3A_31, %dot_general3A_30 : vector<10000x64xf32>
    %swap3A = arith.constant 0 : index
    %swap3A_33 = arith.constant 0 : index
    %swap3A_34 = vector.load %arg5[%swap3A, %swap3A_33] : memref<10000x64xf32, #tpu.memory_space<vmem>>, vector<10000x64xf32>
    tpu.vector_store %arg5[%swap3A, %swap3A_33], %mul3A_32 {strides = array<i32>} : memref<10000x64xf32, #tpu.memory_space<vmem>>, vector<10000x64xf32>,
    return
  }
}

module attributes {stable_mosaic.version = 14 : i64} {
  func.func @_tc3_body(%arg0: memref<2x10240x64xf32, #tpu.memory_space<vmem>>, %arg1: memref<10000x64xf32, #tpu.memory_space<vmem>>, %arg2: memref<10000x1xf32, #tpu.memory_space<vmem>>, %arg3: memref<1x64xf32, #tpu.memory_space<vmem>>, %arg4: memref<10000x64xf32, #tpu.memory_space<vmem>>) attributes {dimension_semantics = [], scalar_prefetch = 0 : i64, scratch_operands = 0 : i64, tpu.core_type = #tpu.core_type<tc>} {
    %get3A = arith.constant 0 : index
    %get3A_0 = arith.constant 0 : index
    %get3A_1 = vector.load %arg2[%get3A, %get3A_0] : memref<10000x1xf32, #tpu.memory_space<vmem>>, vector<10000x1xf32>
    %get3A_2 = arith.constant 0 : index
    %get3A_3 = arith.constant 0 : index
    %get3A_4 = arith.constant 0 : index
    %get3A_5 = vector.load %arg0[%get3A_2, %get3A_3, %get3A_4] : memref<2x10240x64xf32, #tpu.memory_space<vmem>>, vector<1x10000x64xf32>
    %get3A_6 = vector.shape_cast %get3A_5 : vector<1x10000x64xf32> to vector<10000x64xf32>
    %get3A_7 = arith.constant 1 : index
    %get3A_8 = arith.constant 0 : index
    %get3A_9 = arith.constant 0 : index
    %get3A_10 = vector.load %arg0[%get3A_7, %get3A_8, %get3A_9] : memref<2x10240x64xf32, #tpu.memory_space<vmem>>, vector<1x10000x64xf32>
    %get3A_11 = vector.shape_cast %get3A_10 : vector<1x10000x64xf32> to vector<10000x64xf32>
    %add3A = arith.addf %get3A_6, %get3A_11 : vector<10000x64xf32>
    %get3A_12 = arith.constant 0 : index
    %get3A_13 = arith.constant 0 : index
    %get3A_14 = vector.load %arg1[%get3A_12, %get3A_13] : memref<10000x64xf32, #tpu.memory_space<vmem>>, vector<10000x64xf32>
    %add3A_15 = arith.addf %add3A, %get3A_14 : vector<10000x64xf32>
    %mul3A = vector.broadcast %get3A_1 : vector<10000x1xf32> to vector<10000x64xf32>
    %mul3A_16 = arith.mulf %mul3A, %add3A_15 : vector<10000x64xf32>
    %get3A_17 = arith.constant 0 : index
    %get3A_18 = arith.constant 0 : index
    %get3A_19 = vector.load %arg3[%get3A_17, %get3A_18] : memref<1x64xf32, #tpu.memory_space<vmem>>, vector<1x64xf32>
    %add3A_20 = vector.broadcast %get3A_19 : vector<1x64xf32> to vector<10000x64xf32>
    %add3A_21 = arith.addf %mul3A_16, %add3A_20 : vector<10000x64xf32>
    %swap3A = arith.constant 0 : index
    %swap3A_22 = arith.constant 0 : index
    %swap3A_23 = vector.load %arg4[%swap3A, %swap3A_22] : memref<10000x64xf32, #tpu.memory_space<vmem>>, vector<10000x64xf32>
    tpu.vector_store %arg4[%swap3A, %swap3A_22], %add3A_21 {strides = array<i32>} : memref<10000x64xf32, #tpu.memory_space<vmem>>, vector<10000x64xf32>,
    return
  }
}

</mosaic_0001>

<sc_bundles>
// kernel: kernel.11.cloned.1.call-start
scs
__scs_entry_jumppad:
0x0: {  	(pc) =	sbr.rel $0x88, $3  }
0x1: {  	(tag) =	ssettag $0x0;
	lr =	simm.s32 $0x1  }
0x2: {  	[smem:$0x3F9B] =	sst lr;
	_ =	strace $0xD0000000  }
0x3: {  	_ = 	snop  }
0x4: {  	_ = 	snop  }
0x5: {  	_ = 	snop  }
0x6: {  	_ = 	snop  }
0x7: {  	_ = 	snop  }
__scs_overlays_trampoline_lowered:
0x8: {  	[smem:$0x3FAA] =	sst s0  }
0x9: {  	[smem:$0x3FAB] =	sst s1  }
0xa: {  	[smem:$0x3FAC] =	sst s2  }
0xb: {  	[smem:$0x3FAD] =	sst s3  }
0xc: {  	[smem:$0x3FAE] =	sst s4  }
0xd: {  	[smem:$0x3FAF] =	sst s5  }
0xe: {  	[smem:$0x3FB0] =	sst s6  }
0xf: {  	[smem:$0x3FB1] =	sst s7  }
0x10: {  	[smem:$0x3FB2] =	sst s8  }
0x11: {  	[smem:$0x3FB3] =	sst s9;
	s0 =	simm.s32 @!p0 $0x0  }
0x12: {  	s1 =	sld [smem:$0x3F99];
	s0 =	simm.s32 @p0 $0x1  }
0x13: {  	[smem:$0x3FB4] =	sst s0;
	s0 =	simm.s32 @!p1 $0x0  }
0x14: {  	s2 =	sld [smem:$0x3F98];
	s0 =	simm.s32 @p1 $0x1  }
0x15: {  	[smem:$0x3FB5] =	sst s0;
	s0 =	simm.s32 @!p2 $0x0  }
0x16: {  	s3 =	sld [smem:$0x3FDB];
	s0 =	simm.s32 @p2 $0x1  }
0x17: {  	s4 =	simm.s32 $0x1BF5;
	[smem:$0x3FB7] =	sst s0  }
0x18: {  	s0 =	sld [smem:$0x3F9A];
	_ =	swait.ge [sflag:s4], $0x0  }
0x19: {  	s7 =	sld [smem:$0x3F9B]  }
0x1a: {  	s8 =	sadd.s32 $0xFFFFE003, lr  }
0x1b: {  	s9 =	sadd.s32 $0xFFFFFEF7, lr;
	s5 =	simm.s32 $0xFFFFFFFF;
	p2 =	slt.u32 s8, $0xFFFFF086  }
0x1c: {  	p1 =	slt.u32 s9, $0xF7A;
	s5 =	simm.s32 @!p2 $0x0  }
0x1d: {  	s5 =	simm.s32 @p1 $0x1;
	p0 =	seq.s32 s7, s2  }
0x1e: {  	s7 =	smul.u32 @!p0 $0xF7A, s2;
	p2 =	seq.s32 @!p0 s5, $0x0  }
0x1f: {  	s9 =	smul.u32 $0xF7A, s1;
	s8 =	simm.s32 @!p0 $0x1BF5;
	p2 =	por !p2, p0  }
0x20: {  	[sflag:s8] =	ssyncset.s32 @!p0 $0xFFFFF086;
	s6 =	sadd.s32 @!p0 s3, s7;
	s7 =	simm.s32 @!p0 $0x108  }
0x21: {  	s3 =	sadd.s32 s3, s9;
	s6 =	sadd.s32 @!p0 $0x88, s6;
	s7 =	simm.s32 @p2 $0x1082  }
0x22: {  	[simem:s7], [sflag:s8] =	dma.local @!p0 [hbm:s6], $0xF7A  }
0x23: {  	s9 =	sor.u32 $0xD0000000, s2;
	s6 =	simm.s32 $0x108;
	_ =	swait.ge @!p0 [sflag:s8], $0x0  }
0x24: {  	s3 =	sadd.s32 $0x88, s3;
	s6 =	simm.s32 @!p1 $0x1082;
	[sflag:s4] =	ssyncset.s32 $0xFFFFF086  }
0x25: {  	[simem:s6], [sflag:s4] =	dma.local [hbm:s3], $0xF7A  }
0x26: {  	[smem:$0x3F9B] =	sst s1;
	(tag) =	ssettag s2;
	_ =	strace s9  }
0x27: {  	s1 =	sld [smem:$0x3FAB]  }
0x28: {  	s2 =	sld [smem:$0x3FAC]  }
0x29: {  	s4 =	sld [smem:$0x3FAE]  }
0x2a: {  	p0 =	seq.s32 s5, $0x0;
	s5 =	sld [smem:$0x3FAF]  }
0x2b: {  	s6 =	sld [smem:$0x3FB0]  }
0x2c: {  	s7 =	sld [smem:$0x3FB1]  }
0x2d: {  	s3 =	simm.s32 $0x108;
	s8 =	sld [smem:$0x3FB2]  }
0x2e: {  	s3 =	simm.s32 @!p0 $0x1082;
	s9 =	sld [smem:$0x3FB3]  }
0x2f: {  	lr =	sadd.s32 s0, s3;
	s0 =	sld [smem:$0x3FAA]  }
0x30: {  	s3 =	sld [smem:$0x3FAD]  }
0x31: {  	[smem:$0x3FB6] =	sst s10  }
0x32: {  	s10 =	sld [smem:$0x3FB4];
	_ =	sdelay $0x3  }
0x33: {  	p0 =	seq.s32 s10, $0x1;
	s10 =	sld [smem:$0x3FB6];
	_ =	sdelay $0x3  }
0x34: {  	[smem:$0x3FB6] =	sst s10  }
0x35: {  	s10 =	sld [smem:$0x3FB5];
	_ =	sdelay $0x3  }
0x36: {  	p1 =	seq.s32 s10, $0x1;
	s10 =	sld [smem:$0x3FB6];
	_ =	sdelay $0x3  }
0x37: {  	[smem:$0x3FB6] =	sst s10  }
0x38: {  	s10 =	sld [smem:$0x3FB7]  }
0x39: {  	_ = 	snop;
	(pc) =	sbr.ind lr, $3  }
0x3a: {  	_ = 	snop  }
0x3b: {  	_ = 	snop  }
0x3c: {  	p2 =	seq.s32 s10, $0x1;
	s10 =	sld [smem:$0x3FB6]  }
0x3d: {  	_ =	shalt  }
0x3e: {  	_ =	shalt  }
0x3f: {  	_ =	shalt  }
0x40: {  	_ =	shalt  }
0x41: {  	_ =	shalt  }
0x42: {  	_ =	shalt  }
0x43: {  	_ =	shalt  }
0x44: {  	_ =	shalt  }
0x45: {  	_ =	shalt  }
0x46: {  	_ =	shalt  }
0x47: {  	_ =	shalt  }
0x48: {  	_ =	shalt  }
0x49: {  	_ =	shalt  }
0x4a: {  	_ =	shalt  }
0x4b: {  	_ =	shalt  }
0x4c: {  	_ =	shalt  }
0x4d: {  	_ =	shalt  }
0x4e: {  	_ =	shalt  }
0x4f: {  	_ =	shalt  }
0x50: {  	_ =	shalt  }
0x51: {  	_ =	shalt  }
0x52: {  	_ =	shalt  }
0x53: {  	_ =	shalt  }
0x54: {  	_ =	shalt  }
0x55: {  	_ =	shalt  }
0x56: {  	_ =	shalt  }
0x57: {  	_ =	shalt  }
0x58: {  	_ =	shalt  }
0x59: {  	_ =	shalt  }
0x5a: {  	_ =	shalt  }
0x5b: {  	_ =	shalt  }
0x5c: {  	_ =	shalt  }
0x5d: {  	_ =	shalt  }
0x5e: {  	_ =	shalt  }
0x5f: {  	_ =	shalt  }
0x60: {  	_ =	shalt  }
0x61: {  	_ =	shalt  }
0x62: {  	_ =	shalt  }
0x63: {  	_ =	shalt  }
0x64: {  	_ =	shalt  }
0x65: {  	_ =	shalt  }
0x66: {  	_ =	shalt  }
0x67: {  	_ =	shalt  }
0x68: {  	_ =	shalt  }
0x69: {  	_ =	shalt  }
0x6a: {  	_ =	shalt  }
0x6b: {  	_ =	shalt  }
0x6c: {  	_ =	shalt  }
0x6d: {  	_ =	shalt  }
0x6e: {  	_ =	shalt  }
0x6f: {  	_ =	shalt  }
0x70: {  	_ =	shalt  }
0x71: {  	_ =	shalt  }
0x72: {  	_ =	shalt  }
0x73: {  	_ =	shalt  }
0x74: {  	_ =	shalt  }
0x75: {  	_ =	shalt  }
0x76: {  	_ =	shalt  }
0x77: {  	_ =	shalt  }
0x78: {  	_ =	shalt  }
0x79: {  	_ =	shalt  }
0x7a: {  	_ =	shalt  }
0x7b: {  	_ =	shalt  }
0x7c: {  	_ =	shalt  }
0x7d: {  	_ =	shalt  }
0x7e: {  	_ =	shalt  }
0x7f: {  	_ =	shalt  }
0x80: {  	_ =	shalt  }
0x81: {  	_ =	shalt  }
0x82: {  	_ =	shalt  }
0x83: {  	_ =	shalt  }
0x84: {  	_ =	shalt  }
0x85: {  	_ =	shalt  }
0x86: {  	_ =	shalt  }
0x87: {  	_ =	shalt  }
.Lfunc_end0:
.L_simem_size_0:
called_computation.1_lowered:
.L_overlay_start_0:
0x88: {  	s2 =	sld [smem:$0x3FD9]  }
0x89: {  	s3 =	sld [smem:$0x3FFE];
	_ =	sdelay $0x1  }
0x8a: {  	s1 =	srdreg.scid  }
0x8b: {  	s0 =	sand.u32 $0x1, s1  }
0x8c: {  	s17 =	sshll.u32 s0, $0xA;
	s2 =	sadd.s32 s3, s2  }
0x8d: {  	s2 =	sadd.s32 s2, s17  }
0x8e: {  	[smem:$0x3FC2] =	sst s2  }
0x8f: {  	_ = 	snop  }
0x90: {  	s2 =	sld [smem:$0x3FD0];
	(tm) =	ssettm $0x1  }
0x91: {  	s18 =	sld [smem:$0x3FFB];
	_ =	sdelay $0x3  }
0x92: {  	_ =	strace s18  }
0x93: {  	s3 =	sld [smem:$0x3FFC];
	_ =	sdelay $0x3  }
0x94: {  	_ =	strace s3  }
0x95: {  	s3 =	sld [smem:$0x3FFD];
	_ =	sdelay $0x3  }
0x96: {  	_ =	strace s3  }
0x97: {  	_ =	strace $0x8FFFFFFF  }
0x98: {  	s19 =	sld [smem:$0x3FDB];
	_ =	sdelay $0x1  }
0x99: {  	s4 =	simm.s32 $_scs_section_size  }
0x9a: {  	s5 =	simm.s32 $_size__tile_overlayer_lowered;
	s6 =	simm.s32 $_tile_overlayer_lowered  }
0x9b: {  	s22 =	simm.s32 $0x1BFF;
	s21 =	sshll.u32 s6, $0x1;
	s3 =	sadd.s32 s4, s19  }
0x9c: {  	s7 =	simm.s32 $0x0;
	s20 =	sshll.u32 s5, $0x1;
	s5 =	sadd.s32 s21, s3  }
0x9d: {  	[timem:s7], [sflag:s22] =	dma.local [hbm:s5], s20  }
0x9e: {  	_ =	swait.ge [sflag:s22], s20  }
0x9f: {  	s4 =	ssub.s32 $0x0, s20;
	[sflag:s22] =	ssyncset.done $0x0  }
0xa0: {  	[sflag:s22] =	ssyncadd.s32 s4;
	_ =	sdelay $0x1  }
0xa1: {  	s23 =	simm.s32 $0x1B8B  }
0xa2: {  	_ =	swait.ge [sflag:s23], $0x1  }
0xa3: {  	[sflag:s23] =	ssyncset.done $0x0  }
0xa4: {  	s25 =	simm.s32 $0x1B8E;
	s24 =	sld [smem:$0x3FFE];
	[sflag:s23] =	ssyncadd.s32 $0xFFFFFFFF  }
0xa5: {  	s26 =	simm.s32 $execute0_lowered;
	[smem:$0x3FD2] =	sst s25  }
0xa6: {  	s5 =	sshll.u32 s26, $0x1;
	_ =	strace $0x80000049;
	[dreg:$0x1] =	wrdreg $0xFFFFFFFF  }
0xa7: {  	s28 =	simm.s32 $_size_execute0_lowered;
	s3 =	sadd.s32 s3, s5;
	[dreg:$0x0] =	wrdreg $0x0  }
0xa8: {  	s5 =	sshll.u32 s28, $0x1;
	[dreg:$0x2] =	wrdreg s3  }
0xa9: {  	[dreg:$0x3] =	wrdreg s5  }
0xaa: {  	[dreg:$0x4] =	wrdreg $0xC0  }
0xab: {  	_ =	task [dreg:s7], $0x5FFFF  }
0xac: {  	[dreg:$0x1] =	wrdreg $0xFFFFFFFF  }
0xad: {  	[dreg:$0x0] =	wrdreg $0x60  }
0xae: {  	[dreg:$0x2] =	wrdreg s24  }
0xaf: {  	[dreg:$0x3] =	wrdreg s2  }
0xb0: {  	[dreg:$0x4] =	wrdreg $0xA8000  }
0xb1: {  	[dreg:$0x5] =	wrdreg $0x9  }
0xb2: {  	_ =	task.clear_ibuf [dreg:s7], $0x6FFFF;
	_ =	strace $0x90000049  }
0xb3: {  	s29 =	simm.s32 $0x9;
	_ =	strace $0x8000004B  }
0xb4: {  	_ =	swait.ge [sflag:s29], $0x1  }
0xb5: {  	[sflag:s29] =	ssyncadd.s32 $0xFFFFFFFF  }
0xb6: {  	_ =	strace $0x9000004B  }
0xb7: {  	_ =	sfence  }
0xb8: {  	s30 =	sld [smem:$0x0];
	_ =	sdelay $0x2  }
0xb9: {  	s31 =	sshll.u32 s1, $0xD;
	s1 =	sshrl.u32 s1, $0x2  }
0xba: {  	s3 =	sand.u32 $0x4000, s31;
	s1 =	sadd.s32 s1, s30  }
0xbb: {  	s0 =	sor.u32 s3, s0;
	s1 =	sshll.u32 s1, $0x11  }
0xbc: {  	s0 =	sor.u32 s1, s0  }
0xbd: {  	s0 =	sadd.s32 $0x8F2B, s0  }
0xbe: {  	[sflag:s0] =	ssyncadd.remote.s32 $0x1  }
0xbf: {  	_ =	sfence.sel $0xFFFF  }
0xc0: {  	[dreg:$0x0] =	wrdreg $0xFFFFFFFF;
	(pc) =	sbr.abs _section_cstart, $3  }
0xc1: {  	[dreg:$0x1] =	wrdreg $0xFFFFFFFF  }
0xc2: {  	_ =	task.clear_ibuf [dreg:s7], $0x2FFFF;
	_ =	strace $0x9FFFFFFF  }
0xc3: {  	(tm) =	ssettm $0x7FFFFFFF  }
tec
execute0_lowered:
.L_overlay_start_1:
0x0: {  	(tag) =	ssettag $0x1  }
0x1: {  	s6 =	rddreg [dreg:$0x0]  }
0x2: {  	s2 =	rddreg [dreg:$0x1]  }
0x3: {  	s3 =	rddreg [dreg:$0x2];
	s5 =	srdreg.scid  }
0x4: {  	s1 =	stileid.u32;
	s4 =	simm.s32 $0x0;
	s18 =	simm.s32 $0x5  }
0x5: {  	s19 =	simm.s32 $0x1400;
	s20 =	simm.s32 $0x80;
	s21 =	simm.s32 $0x1  }
0x6: {  	s22 =	simm.s32 $0x6800;
	s23 =	simm.s32 $0x2;
	s28 =	simm.s32 $0x4  }
0x7: {  	s29 =	simm.s32 $0x0;
	s7 =	sand.u32 $0x1, s5;
	s8 =	smul.u32 $0x14000, s1  }
0x8: {  	[smem:$0x7FF] =	sst s4;
	s5 =	sadd.s32 $0x16200, s6;
	s11 =	smul.u32 $0x50000, s1  }
0x9: {  	s13 =	sadd.s32 $0xC200, s6;
	s14 =	sadd.s32 $0x2200, s6;
	s9 =	smul.u32 $0x140000, s7  }
0xa: {  	_ =	strace $0x8000004A;
	s10 =	sshll.u32 s7, $0x4;
	s24 =	ssub.s32 $0x2, s7  }
0xb: {  	s25 =	sor.u32 s1, s10;
	s26 =	sshrl.u32 s24, $0x1;
	s30 =	sshrl.u32 s11, $0x2  }
0xc: {  	s9 =	sadd.s32 s8, s9;
	s31 =	smul.u32 $0x2800, s25;
	s16 =	ssub.s32 s24, s26  }
0xd: {  	s10 =	sadd.s32 s30, s3;
	s24 =	simm.s32 $0x1480;
	s25 =	simm.s32 $0x3  }
0xe: {  	s26 =	simm.s32 $0x100;
	s9 =	sshrl.u32 s9, $0x3;
	s7 =	sadd.s32 $0x4000, s10  }
.Ltmp0:
0xf: {  	s16 =	smax.u32 s16, $0x1;
	s15 =	sadd.s32 s9, s6;
	(pc) =	sbr.rel .LBB2_1-.Ltmp0, $4  }
0x10: {  	s6 =	sadd.s32 s8, s3;
	s8 =	sadd.s32 $0x8000, s10;
	s12 =	sshrl.u32 s31, $0x3  }
0x11: {  	s9 =	sadd.s32 $0xC000, s10;
	s10 =	sadd.s32 $0x10000, s10;
	s17 =	sadd.s32 $0x280, s12  }
0x12: {  	s11 =	sadd.s32 s13, s12;
	s12 =	sadd.s32 s14, s12;
	s15 =	sadd.s32 $0x3D400, s15  }
0x13: {  	s13 =	sadd.s32 s13, s17;
	s14 =	sadd.s32 s14, s17;
	s17 =	simm.s32 $0x2800  }
.LBB2_7:
0x14: {  	_ =	swait.ge [sflag:s28], $0x4000  }
0x15: {  	s0 =	sshll.u32 s1, $0x6;
	s29 =	sadd.s32 $0x1, s29;
	[sflag:s28] =	ssyncset.done $0x0  }
0x16: {  	s30 =	sshrl.u32 s6, $0x3;
	p0 =	sne.s32 s29, s16;
	[sflag:s28] =	ssyncadd.s32 $0xFFFFC000  }
.Ltmp1:
0x17: {  	s0 =	sor.u32 $0x1C05, s0;
	[bflag:$0x0] =	sbarrier.arrive $0xFFFF;
	(pc) =	sbr.rel @!p0 .LBB2_8-.Ltmp1, $4  }
0x18: {  	[hbm:s15], [sflag:s0] =	dma.local [spmem:s30], $0x2800  }
0x19: {  	_ =	swait.ge [sflag:s18], $0x2800  }
0x1a: {  	[sflag:s18] =	ssyncset.done $0x0  }
0x1b: {  	[sflag:s18] =	ssyncadd.s32 $0xFFFFD800  }
.LBB2_1:
0x1c: {  	[tilespmem:s17], [sflag:$0x5] =	stream.linear.gather [hbm4b:s2+s4], $0x4000, $0x38;
	[tilespmem:$0x1E800] =	vst v63  }
0x1d: {  	_ =	swait.ge [sflag:s18], $0x4000  }
0x1e: {  	[sflag:s18] =	ssyncset.done $0x0  }
0x1f: {  	[sflag:s18] =	ssyncadd.s32 $0xFFFFC000  }
0x20: {  	[spmem:s6] =	stream.linear.scatter [tilespmem:s17], [sflag:$0x5], $0x4000, $0x38;
	[tilespmem:$0x1E800] =	vst v63  }
0x21: {  	_ =	swait.ge [sflag:s18], $0x4000  }
0x22: {  	[sflag:s18] =	ssyncset.done $0x0  }
0x23: {  	[sflag:s18] =	ssyncadd.s32 $0xFFFFC000  }
0x24: {  	[spmem:s7] =	stream.linear.scatter [tilespmem:s17], [sflag:$0x5], $0x4000, $0x38;
	[tilespmem:$0x1E800] =	vst v63  }
0x25: {  	_ =	swait.ge [sflag:s18], $0x4000  }
0x26: {  	[sflag:s18] =	ssyncset.done $0x0  }
0x27: {  	[sflag:s18] =	ssyncadd.s32 $0xFFFFC000  }
0x28: {  	[spmem:s8] =	stream.linear.scatter [tilespmem:s17], [sflag:$0x5], $0x4000, $0x38;
	[tilespmem:$0x1E800] =	vst v63  }
0x29: {  	_ =	swait.ge [sflag:s18], $0x4000  }
0x2a: {  	[sflag:s18] =	ssyncset.done $0x0  }
0x2b: {  	[sflag:s18] =	ssyncadd.s32 $0xFFFFC000  }
0x2c: {  	[spmem:s9] =	stream.linear.scatter [tilespmem:s17], [sflag:$0x5], $0x4000, $0x38;
	[tilespmem:$0x1E800] =	vst v63  }
0x2d: {  	_ =	swait.ge [sflag:s18], $0x4000  }
0x2e: {  	[sflag:s18] =	ssyncset.done $0x0  }
0x2f: {  	[sflag:s18] =	ssyncadd.s32 $0xFFFFC000  }
0x30: {  	[spmem:s10] =	stream.linear.scatter [tilespmem:s17], [sflag:$0x5], $0x4000, $0x38;
	[tilespmem:$0x1E800] =	vst v63  }
0x31: {  	_ =	swait.ge [sflag:s18], $0x4000  }
0x32: {  	[sflag:s18] =	ssyncset.done $0x0  }
0x33: {  	[sflag:s18] =	ssyncadd.s32 $0xFFFFC000  }
0x34: {  	[bflag:$0x0] =	sbarrier.arrive $0xFFFF  }
0x35: {  	[tilespmem:s4], [sflag:$0x5] =	stream.linear.gather [hbm4b:s11+s4], $0x1400, $0x38;
	[tilespmem:$0x1E800] =	vst v63  }
0x36: {  	_ =	swait.ge [sflag:s18], $0x1400  }
0x37: {  	[sflag:s18] =	ssyncset.done $0x0  }
0x38: {  	[sflag:s18] =	ssyncadd.s32 $0xFFFFEC00  }
0x39: {  	[tilespmem:s19], [sflag:$0x5] =	stream.linear.gather [hbm4b:s12+s4], $0x1400, $0x38;
	[tilespmem:$0x1E800] =	vst v63  }
0x3a: {  	_ =	swait.ge [sflag:s18], $0x1400  }
0x3b: {  	[sflag:s18] =	ssyncset.done $0x0  }
0x3c: {  	[sflag:s18] =	ssyncadd.s32 $0xFFFFEC00  }
0x3d: {  	[tilespmem:s17], [sflag:$0x1] =	stream.indirect.gather [hbm4b:s5+s20], $0x80, s4, s20, $0xb8;
	[tilespmem:$0x1E800] =	vst v63  }
0x3e: {  	_ =	swait.ge [sflag:s21], $0x4000  }
0x3f: {  	[sflag:s21] =	ssyncset.done $0x0  }
0x40: {  	[sflag:s21] =	ssyncadd.s32 $0xFFFFC000  }
0x41: {  	[spmem:s3] =	stream.indirect.scatter.add.f32 [tilespmem:s17], [sflag:$0x3], $0x80, s19, s20, $0xb8;
	[tilespmem:$0x1E800] =	vst v63  }
0x42: {  	_ = 	snop  }
0x43: {  	[tilespmem:s22], [sflag:$0x2] =	stream.indirect.gather [hbm4b:s5+s20], $0x80, s20, s20, $0xb8;
	[tilespmem:$0x1E800] =	vst v63  }
0x44: {  	_ =	swait.ge [sflag:s23], $0x4000  }
0x45: {  	[sflag:s23] =	ssyncset.done $0x0  }
0x46: {  	[sflag:s23] =	ssyncadd.s32 $0xFFFFC000  }
0x47: {  	[spmem:s3] =	stream.indirect.scatter.add.f32 [tilespmem:s22], [sflag:$0x4], $0x80, s24, s20, $0xb8;
	[tilespmem:$0x1E800] =	vst v63  }
0x48: {  	_ =	swait.ge [sflag:s25], $0x4000  }
0x49: {  	[sflag:s25] =	ssyncset.done $0x0  }
0x4a: {  	s30 =	simm.s32 $0xFFFFB800;
	[sflag:s25] =	ssyncadd.s32 $0xFFFFC000  }
0x4b: {  	[tilespmem:s17], [sflag:$0x1] =	stream.indirect.gather [hbm4b:s5+s20], $0x80, s26, s20, $0xb8;
	[tilespmem:$0x1E800] =	vst v63  }
.LBB2_2:
0x4c: {  	_ =	swait.ge [sflag:s21], $0x4000  }
0x4d: {  	s31 =	sshra.s32 s30, $0x2;
	[sflag:s21] =	ssyncset.done $0x0  }
0x4e: {  	s0 =	sadd.s32 $0x2700, s31;
	[sflag:s21] =	ssyncadd.s32 $0xFFFFC000  }
0x4f: {  	[spmem:s3] =	stream.indirect.scatter.add.f32 [tilespmem:s17], [sflag:$0x3], $0x80, s0, s20, $0xb8;
	[tilespmem:$0x1E800] =	vst v63  }
0x50: {  	_ =	swait.ge [sflag:s28], $0x4000  }
0x51: {  	[sflag:s28] =	ssyncset.done $0x0  }
0x52: {  	s0 =	sadd.s32 $0x1380, s31;
	[sflag:s28] =	ssyncadd.s32 $0xFFFFC000  }
0x53: {  	[tilespmem:s22], [sflag:$0x2] =	stream.indirect.gather [hbm4b:s5+s20], $0x80, s0, s20, $0xb8;
	[tilespmem:$0x1E800] =	vst v63  }
0x54: {  	_ =	swait.ge [sflag:s23], $0x4000  }
0x55: {  	p0 =	seq.s32 s30, $0x0;
	[sflag:s23] =	ssyncset.done $0x0  }
.Ltmp2:
0x56: {  	s0 =	sadd.s32 $0x2780, s31;
	[sflag:s23] =	ssyncadd.s32 $0xFFFFC000;
	(pc) =	sbr.rel @p0 .LBB2_4-.Ltmp2, $4  }
0x57: {  	[spmem:s3] =	stream.indirect.scatter.add.f32 [tilespmem:s22], [sflag:$0x4], $0x80, s0, s20, $0xb8;
	[tilespmem:$0x1E800] =	vst v63  }
0x58: {  	_ =	swait.ge [sflag:s25], $0x4000  }
0x59: {  	[sflag:s25] =	ssyncset.done $0x0  }
0x5a: {  	[sflag:s25] =	ssyncadd.s32 $0xFFFFC000  }
.Ltmp3:
0x5b: {  	(pc) =	sbr.rel .LBB2_2-.Ltmp3, $3  }
0x5c: {  	_ =	sdelay $0x1  }
0x5d: {  	s0 =	sadd.s32 $0x1400, s31;
	s30 =	sadd.s32 $0x400, s30  }
0x5e: {  	[tilespmem:s17], [sflag:$0x1] =	stream.indirect.gather [hbm4b:s5+s20], $0x80, s0, s20, $0xb8;
	[tilespmem:$0x1E800] =	vst v63  }
.LBB2_4:
0x5f: {  	_ =	swait.ge [sflag:s28], $0x4000  }
0x60: {  	[sflag:s28] =	ssyncset.done $0x0  }
0x61: {  	[sflag:s28] =	ssyncadd.s32 $0xFFFFC000  }
0x62: {  	[tilespmem:s4], [sflag:$0x5] =	stream.linear.gather [hbm4b:s13+s4], $0x1400, $0x38;
	[tilespmem:$0x1E800] =	vst v63  }
0x63: {  	_ =	swait.ge [sflag:s18], $0x1400  }
0x64: {  	[sflag:s18] =	ssyncset.done $0x0  }
0x65: {  	[sflag:s18] =	ssyncadd.s32 $0xFFFFEC00  }
0x66: {  	[tilespmem:s19], [sflag:$0x5] =	stream.linear.gather [hbm4b:s14+s4], $0x1400, $0x38;
	[tilespmem:$0x1E800] =	vst v63  }
0x67: {  	_ =	swait.ge [sflag:s18], $0x1400  }
0x68: {  	[sflag:s18] =	ssyncset.done $0x0  }
0x69: {  	[sflag:s18] =	ssyncadd.s32 $0xFFFFEC00  }
0x6a: {  	[tilespmem:s17], [sflag:$0x1] =	stream.indirect.gather [hbm4b:s5+s20], $0x80, s4, s20, $0xb8;
	[tilespmem:$0x1E800] =	vst v63  }
0x6b: {  	_ =	swait.ge [sflag:s21], $0x4000  }
0x6c: {  	[sflag:s21] =	ssyncset.done $0x0  }
0x6d: {  	[sflag:s21] =	ssyncadd.s32 $0xFFFFC000  }
0x6e: {  	[spmem:s3] =	stream.indirect.scatter.add.f32 [tilespmem:s17], [sflag:$0x3], $0x80, s19, s20, $0xb8;
	[tilespmem:$0x1E800] =	vst v63  }
0x6f: {  	_ = 	snop  }
0x70: {  	[tilespmem:s22], [sflag:$0x2] =	stream.indirect.gather [hbm4b:s5+s20], $0x80, s20, s20, $0xb8;
	[tilespmem:$0x1E800] =	vst v63  }
0x71: {  	_ =	swait.ge [sflag:s23], $0x4000  }
0x72: {  	[sflag:s23] =	ssyncset.done $0x0  }
0x73: {  	[sflag:s23] =	ssyncadd.s32 $0xFFFFC000  }
0x74: {  	[spmem:s3] =	stream.indirect.scatter.add.f32 [tilespmem:s22], [sflag:$0x4], $0x80, s24, s20, $0xb8;
	[tilespmem:$0x1E800] =	vst v63  }
0x75: {  	_ =	swait.ge [sflag:s25], $0x4000  }
0x76: {  	[sflag:s25] =	ssyncset.done $0x0  }
0x77: {  	s30 =	simm.s32 $0xFFFFB800;
	[sflag:s25] =	ssyncadd.s32 $0xFFFFC000  }
0x78: {  	[tilespmem:s17], [sflag:$0x1] =	stream.indirect.gather [hbm4b:s5+s20], $0x80, s26, s20, $0xb8;
	[tilespmem:$0x1E800] =	vst v63  }
.LBB2_5:
0x79: {  	_ =	swait.ge [sflag:s21], $0x4000  }
0x7a: {  	s31 =	sshra.s32 s30, $0x2;
	[sflag:s21] =	ssyncset.done $0x0  }
0x7b: {  	s0 =	sadd.s32 $0x2700, s31;
	[sflag:s21] =	ssyncadd.s32 $0xFFFFC000  }
0x7c: {  	[spmem:s3] =	stream.indirect.scatter.add.f32 [tilespmem:s17], [sflag:$0x3], $0x80, s0, s20, $0xb8;
	[tilespmem:$0x1E800] =	vst v63  }
0x7d: {  	_ =	swait.ge [sflag:s28], $0x4000  }
0x7e: {  	[sflag:s28] =	ssyncset.done $0x0  }
0x7f: {  	s0 =	sadd.s32 $0x1380, s31;
	[sflag:s28] =	ssyncadd.s32 $0xFFFFC000  }
0x80: {  	[tilespmem:s22], [sflag:$0x2] =	stream.indirect.gather [hbm4b:s5+s20], $0x80, s0, s20, $0xb8;
	[tilespmem:$0x1E800] =	vst v63  }
0x81: {  	_ =	swait.ge [sflag:s23], $0x4000  }
0x82: {  	p0 =	seq.s32 s30, $0x0;
	[sflag:s23] =	ssyncset.done $0x0  }
.Ltmp4:
0x83: {  	s0 =	sadd.s32 $0x2780, s31;
	[sflag:s23] =	ssyncadd.s32 $0xFFFFC000;
	(pc) =	sbr.rel @p0 .LBB2_7-.Ltmp4, $4  }
0x84: {  	[spmem:s3] =	stream.indirect.scatter.add.f32 [tilespmem:s22], [sflag:$0x4], $0x80, s0, s20, $0xb8;
	[tilespmem:$0x1E800] =	vst v63  }
0x85: {  	_ =	swait.ge [sflag:s25], $0x4000  }
0x86: {  	[sflag:s25] =	ssyncset.done $0x0  }
0x87: {  	[sflag:s25] =	ssyncadd.s32 $0xFFFFC000  }
.Ltmp5:
0x88: {  	(pc) =	sbr.rel .LBB2_5-.Ltmp5, $3  }
0x89: {  	_ =	sdelay $0x1  }
0x8a: {  	s0 =	sadd.s32 $0x1400, s31;
	s30 =	sadd.s32 $0x400, s30  }
0x8b: {  	[tilespmem:s17], [sflag:$0x1] =	stream.indirect.gather [hbm4b:s5+s20], $0x80, s0, s20, $0xb8;
	[tilespmem:$0x1E800] =	vst v63  }
.LBB2_8:
0x8c: {  	_ =	sfence.sel $0x180000  }
0x8d: {  	[bflag:$0x0] =	sbarrier.arrive $0xFFFF  }
0x8e: {  	_ =	strace $0x9000004A  }
0x8f: {  	[bflag:$0x2] =	sbarrier.arrive $0xFFFF  }
0x90: {  	p0 =	sne.s32 s1, $0x0;
	s0 =	rddreg [dreg:$0x3]  }
0x91: {  	s0 =	sadd.s32 @!p0 $0x100000, s0  }
0x92: {  	[sflag:s0] =	ssyncadd.tile.s32 @!p0 $0x1;
	_ =	shalt  }
.Lfunc_end2:
_tile_overlayer_lowered:
.L_overlay_start_2:
0x93: {  	(tag) =	ssettag $0x2  }
0x94: {  	s0 =	rddreg [dreg:$0x0];
	s2 =	stileid.u32  }
0x95: {  	s1 =	rddreg [dreg:$0x1];
	p0 =	sne.s32 s2, $0x0  }
0x96: {  	s3 =	rddreg [dreg:$0x2];
	[bflag:$0x3] =	sbarrier.arrive $0xFFFF;
	s2 =	simm.s32 @!p0 $0x1C05  }
0x97: {  	[timem:s3], [sflag:s2] =	dma.local @!p0 [hbm:s0], s1  }
0x98: {  	s0 =	simm.s32 @!p0 $0x5  }
0x99: {  	_ =	swait.ge @!p0 [sflag:s0], s1  }
0x9a: {  	s1 =	ssub.s32 @!p0 $0x0, s1;
	[sflag:s0] =	ssyncset.done @!p0 $0x0  }
0x9b: {  	[sflag:s0] =	ssyncadd.s32 @!p0 s1  }
0x9c: {  	[bflag:$0x3] =	sbarrier.arrive $0xFFFF  }
0x9d: {  	_ =	shalt  }

// kernel: kernel.14.cloned.1.call-start
scs
__scs_entry_jumppad:
0x0: {  	(pc) =	sbr.rel $0x88, $3  }
0x1: {  	(tag) =	ssettag $0x0;
	lr =	simm.s32 $0x1  }
0x2: {  	[smem:$0x3F9B] =	sst lr;
	_ =	strace $0xD0000000  }
0x3: {  	_ = 	snop  }
0x4: {  	_ = 	snop  }
0x5: {  	_ = 	snop  }
0x6: {  	_ = 	snop  }
0x7: {  	_ = 	snop  }
__scs_overlays_trampoline_lowered:
0x8: {  	[smem:$0x3FAA] =	sst s0  }
0x9: {  	[smem:$0x3FAB] =	sst s1  }
0xa: {  	[smem:$0x3FAC] =	sst s2  }
0xb: {  	[smem:$0x3FAD] =	sst s3  }
0xc: {  	[smem:$0x3FAE] =	sst s4  }
0xd: {  	[smem:$0x3FAF] =	sst s5  }
0xe: {  	[smem:$0x3FB0] =	sst s6  }
0xf: {  	[smem:$0x3FB1] =	sst s7  }
0x10: {  	[smem:$0x3FB2] =	sst s8  }
0x11: {  	[smem:$0x3FB3] =	sst s9;
	s0 =	simm.s32 @!p0 $0x0  }
0x12: {  	s1 =	sld [smem:$0x3F99];
	s0 =	simm.s32 @p0 $0x1  }
0x13: {  	[smem:$0x3FB4] =	sst s0;
	s0 =	simm.s32 @!p1 $0x0  }
0x14: {  	s2 =	sld [smem:$0x3F98];
	s0 =	simm.s32 @p1 $0x1  }
0x15: {  	[smem:$0x3FB5] =	sst s0;
	s0 =	simm.s32 @!p2 $0x0  }
0x16: {  	s3 =	sld [smem:$0x3FDB];
	s0 =	simm.s32 @p2 $0x1  }
0x17: {  	s4 =	simm.s32 $0x1BF5;
	[smem:$0x3FB7] =	sst s0  }
0x18: {  	s0 =	sld [smem:$0x3F9A];
	_ =	swait.ge [sflag:s4], $0x0  }
0x19: {  	s7 =	sld [smem:$0x3F9B]  }
0x1a: {  	s8 =	sadd.s32 $0xFFFFE003, lr  }
0x1b: {  	s9 =	sadd.s32 $0xFFFFFEF7, lr;
	s5 =	simm.s32 $0xFFFFFFFF;
	p2 =	slt.u32 s8, $0xFFFFF086  }
0x1c: {  	p1 =	slt.u32 s9, $0xF7A;
	s5 =	simm.s32 @!p2 $0x0  }
0x1d: {  	s5 =	simm.s32 @p1 $0x1;
	p0 =	seq.s32 s7, s2  }
0x1e: {  	s7 =	smul.u32 @!p0 $0xF7A, s2;
	p2 =	seq.s32 @!p0 s5, $0x0  }
0x1f: {  	s9 =	smul.u32 $0xF7A, s1;
	s8 =	simm.s32 @!p0 $0x1BF5;
	p2 =	por !p2, p0  }
0x20: {  	[sflag:s8] =	ssyncset.s32 @!p0 $0xFFFFF086;
	s6 =	sadd.s32 @!p0 s3, s7;
	s7 =	simm.s32 @!p0 $0x108  }
0x21: {  	s3 =	sadd.s32 s3, s9;
	s6 =	sadd.s32 @!p0 $0x88, s6;
	s7 =	simm.s32 @p2 $0x1082  }
0x22: {  	[simem:s7], [sflag:s8] =	dma.local @!p0 [hbm:s6], $0xF7A  }
0x23: {  	s9 =	sor.u32 $0xD0000000, s2;
	s6 =	simm.s32 $0x108;
	_ =	swait.ge @!p0 [sflag:s8], $0x0  }
0x24: {  	s3 =	sadd.s32 $0x88, s3;
	s6 =	simm.s32 @!p1 $0x1082;
	[sflag:s4] =	ssyncset.s32 $0xFFFFF086  }
0x25: {  	[simem:s6], [sflag:s4] =	dma.local [hbm:s3], $0xF7A  }
0x26: {  	[smem:$0x3F9B] =	sst s1;
	(tag) =	ssettag s2;
	_ =	strace s9  }
0x27: {  	s1 =	sld [smem:$0x3FAB]  }
0x28: {  	s2 =	sld [smem:$0x3FAC]  }
0x29: {  	s4 =	sld [smem:$0x3FAE]  }
0x2a: {  	p0 =	seq.s32 s5, $0x0;
	s5 =	sld [smem:$0x3FAF]  }
0x2b: {  	s6 =	sld [smem:$0x3FB0]  }
0x2c: {  	s7 =	sld [smem:$0x3FB1]  }
0x2d: {  	s3 =	simm.s32 $0x108;
	s8 =	sld [smem:$0x3FB2]  }
0x2e: {  	s3 =	simm.s32 @!p0 $0x1082;
	s9 =	sld [smem:$0x3FB3]  }
0x2f: {  	lr =	sadd.s32 s0, s3;
	s0 =	sld [smem:$0x3FAA]  }
0x30: {  	s3 =	sld [smem:$0x3FAD]  }
0x31: {  	[smem:$0x3FB6] =	sst s10  }
0x32: {  	s10 =	sld [smem:$0x3FB4];
	_ =	sdelay $0x3  }
0x33: {  	p0 =	seq.s32 s10, $0x1;
	s10 =	sld [smem:$0x3FB6];
	_ =	sdelay $0x3  }
0x34: {  	[smem:$0x3FB6] =	sst s10  }
0x35: {  	s10 =	sld [smem:$0x3FB5];
	_ =	sdelay $0x3  }
0x36: {  	p1 =	seq.s32 s10, $0x1;
	s10 =	sld [smem:$0x3FB6];
	_ =	sdelay $0x3  }
0x37: {  	[smem:$0x3FB6] =	sst s10  }
0x38: {  	s10 =	sld [smem:$0x3FB7]  }
0x39: {  	_ = 	snop;
	(pc) =	sbr.ind lr, $3  }
0x3a: {  	_ = 	snop  }
0x3b: {  	_ = 	snop  }
0x3c: {  	p2 =	seq.s32 s10, $0x1;
	s10 =	sld [smem:$0x3FB6]  }
0x3d: {  	_ =	shalt  }
0x3e: {  	_ =	shalt  }
0x3f: {  	_ =	shalt  }
0x40: {  	_ =	shalt  }
0x41: {  	_ =	shalt  }
0x42: {  	_ =	shalt  }
0x43: {  	_ =	shalt  }
0x44: {  	_ =	shalt  }
0x45: {  	_ =	shalt  }
0x46: {  	_ =	shalt  }
0x47: {  	_ =	shalt  }
0x48: {  	_ =	shalt  }
0x49: {  	_ =	shalt  }
0x4a: {  	_ =	shalt  }
0x4b: {  	_ =	shalt  }
0x4c: {  	_ =	shalt  }
0x4d: {  	_ =	shalt  }
0x4e: {  	_ =	shalt  }
0x4f: {  	_ =	shalt  }
0x50: {  	_ =	shalt  }
0x51: {  	_ =	shalt  }
0x52: {  	_ =	shalt  }
0x53: {  	_ =	shalt  }
0x54: {  	_ =	shalt  }
0x55: {  	_ =	shalt  }
0x56: {  	_ =	shalt  }
0x57: {  	_ =	shalt  }
0x58: {  	_ =	shalt  }
0x59: {  	_ =	shalt  }
0x5a: {  	_ =	shalt  }
0x5b: {  	_ =	shalt  }
0x5c: {  	_ =	shalt  }
0x5d: {  	_ =	shalt  }
0x5e: {  	_ =	shalt  }
0x5f: {  	_ =	shalt  }
0x60: {  	_ =	shalt  }
0x61: {  	_ =	shalt  }
0x62: {  	_ =	shalt  }
0x63: {  	_ =	shalt  }
0x64: {  	_ =	shalt  }
0x65: {  	_ =	shalt  }
0x66: {  	_ =	shalt  }
0x67: {  	_ =	shalt  }
0x68: {  	_ =	shalt  }
0x69: {  	_ =	shalt  }
0x6a: {  	_ =	shalt  }
0x6b: {  	_ =	shalt  }
0x6c: {  	_ =	shalt  }
0x6d: {  	_ =	shalt  }
0x6e: {  	_ =	shalt  }
0x6f: {  	_ =	shalt  }
0x70: {  	_ =	shalt  }
0x71: {  	_ =	shalt  }
0x72: {  	_ =	shalt  }
0x73: {  	_ =	shalt  }
0x74: {  	_ =	shalt  }
0x75: {  	_ =	shalt  }
0x76: {  	_ =	shalt  }
0x77: {  	_ =	shalt  }
0x78: {  	_ =	shalt  }
0x79: {  	_ =	shalt  }
0x7a: {  	_ =	shalt  }
0x7b: {  	_ =	shalt  }
0x7c: {  	_ =	shalt  }
0x7d: {  	_ =	shalt  }
0x7e: {  	_ =	shalt  }
0x7f: {  	_ =	shalt  }
0x80: {  	_ =	shalt  }
0x81: {  	_ =	shalt  }
0x82: {  	_ =	shalt  }
0x83: {  	_ =	shalt  }
0x84: {  	_ =	shalt  }
0x85: {  	_ =	shalt  }
0x86: {  	_ =	shalt  }
0x87: {  	_ =	shalt  }
.Lfunc_end0:
.L_simem_size_0:
called_computation.2_lowered:
.L_overlay_start_0:
0x88: {  	s2 =	sld [smem:$0x3FD9]  }
0x89: {  	s3 =	sld [smem:$0x3FFE];
	_ =	sdelay $0x1  }
0x8a: {  	s1 =	srdreg.scid  }
0x8b: {  	s0 =	sand.u32 $0x1, s1  }
0x8c: {  	s17 =	sshll.u32 s0, $0xA;
	s2 =	sadd.s32 s3, s2  }
0x8d: {  	s2 =	sadd.s32 s2, s17  }
0x8e: {  	[smem:$0x3FC2] =	sst s2  }
0x8f: {  	_ = 	snop  }
0x90: {  	s2 =	sld [smem:$0x3FD0];
	(tm) =	ssettm $0x1  }
0x91: {  	s18 =	sld [smem:$0x3FFB];
	_ =	sdelay $0x3  }
0x92: {  	_ =	strace s18  }
0x93: {  	s3 =	sld [smem:$0x3FFC];
	_ =	sdelay $0x3  }
0x94: {  	_ =	strace s3  }
0x95: {  	s3 =	sld [smem:$0x3FFD];
	_ =	sdelay $0x3  }
0x96: {  	_ =	strace s3  }
0x97: {  	_ =	strace $0x8FFFFFFF  }
0x98: {  	s19 =	sld [smem:$0x3FDB];
	_ =	sdelay $0x1  }
0x99: {  	s4 =	simm.s32 $_scs_section_size  }
0x9a: {  	s5 =	simm.s32 $_size__tile_overlayer_lowered;
	s6 =	simm.s32 $_tile_overlayer_lowered  }
0x9b: {  	s22 =	simm.s32 $0x1BFF;
	s21 =	sshll.u32 s6, $0x1;
	s3 =	sadd.s32 s4, s19  }
0x9c: {  	s7 =	simm.s32 $0x0;
	s20 =	sshll.u32 s5, $0x1;
	s5 =	sadd.s32 s21, s3  }
0x9d: {  	[timem:s7], [sflag:s22] =	dma.local [hbm:s5], s20  }
0x9e: {  	_ =	swait.ge [sflag:s22], s20  }
0x9f: {  	s4 =	ssub.s32 $0x0, s20;
	[sflag:s22] =	ssyncset.done $0x0  }
0xa0: {  	[sflag:s22] =	ssyncadd.s32 s4;
	_ =	sdelay $0x1  }
0xa1: {  	s23 =	simm.s32 $0x1B8B  }
0xa2: {  	_ =	swait.ge [sflag:s23], $0x1  }
0xa3: {  	[sflag:s23] =	ssyncset.done $0x0  }
0xa4: {  	s25 =	simm.s32 $0x1B8E;
	s24 =	sld [smem:$0x3FFE];
	[sflag:s23] =	ssyncadd.s32 $0xFFFFFFFF  }
0xa5: {  	s26 =	simm.s32 $execute0_lowered;
	[smem:$0x3FD2] =	sst s25  }
0xa6: {  	s5 =	sshll.u32 s26, $0x1;
	_ =	strace $0x8000004C;
	[dreg:$0x1] =	wrdreg $0xFFFFFFFF  }
0xa7: {  	s28 =	simm.s32 $_size_execute0_lowered;
	s3 =	sadd.s32 s3, s5;
	[dreg:$0x0] =	wrdreg $0x0  }
0xa8: {  	s5 =	sshll.u32 s28, $0x1;
	[dreg:$0x2] =	wrdreg s3  }
0xa9: {  	[dreg:$0x3] =	wrdreg s5  }
0xaa: {  	[dreg:$0x4] =	wrdreg $0xC0  }
0xab: {  	_ =	task [dreg:s7], $0x5FFFF  }
0xac: {  	[dreg:$0x1] =	wrdreg $0xFFFFFFFF  }
0xad: {  	[dreg:$0x0] =	wrdreg $0x60  }
0xae: {  	[dreg:$0x2] =	wrdreg s2  }
0xaf: {  	[dreg:$0x3] =	wrdreg s24  }
0xb0: {  	[dreg:$0x4] =	wrdreg $0x68000  }
0xb1: {  	[dreg:$0x5] =	wrdreg $0x108000  }
0xb2: {  	[dreg:$0x6] =	wrdreg $0x9  }
0xb3: {  	_ =	task.clear_ibuf [dreg:s7], $0x7FFFF;
	_ =	strace $0x9000004C  }
0xb4: {  	s29 =	simm.s32 $0x9;
	_ =	strace $0x8000004E  }
0xb5: {  	_ =	swait.ge [sflag:s29], $0x1  }
0xb6: {  	[sflag:s29] =	ssyncadd.s32 $0xFFFFFFFF  }
0xb7: {  	_ =	strace $0x9000004E  }
0xb8: {  	_ =	sfence  }
0xb9: {  	s30 =	sld [smem:$0x0];
	_ =	sdelay $0x2  }
0xba: {  	s31 =	sshll.u32 s1, $0xD;
	s1 =	sshrl.u32 s1, $0x2  }
0xbb: {  	s3 =	sand.u32 $0x4000, s31;
	s1 =	sadd.s32 s1, s30  }
0xbc: {  	s0 =	sor.u32 s3, s0;
	s1 =	sshll.u32 s1, $0x11  }
0xbd: {  	s0 =	sor.u32 s1, s0  }
0xbe: {  	s0 =	sadd.s32 $0x8F2B, s0  }
0xbf: {  	[sflag:s0] =	ssyncadd.remote.s32 $0x1  }
0xc0: {  	_ =	sfence.sel $0xFFFF  }
0xc1: {  	[dreg:$0x0] =	wrdreg $0xFFFFFFFF;
	(pc) =	sbr.abs _section_cstart, $3  }
0xc2: {  	[dreg:$0x1] =	wrdreg $0xFFFFFFFF  }
0xc3: {  	_ =	task.clear_ibuf [dreg:s7], $0x2FFFF;
	_ =	strace $0x9FFFFFFF  }
0xc4: {  	(tm) =	ssettm $0x7FFFFFFF  }
0xc5: {  	_ =	shalt  }
tec
execute0_lowered:
.L_overlay_start_1:
0x0: {  	(tag) =	ssettag $0x1  }
0x1: {  	s0 =	rddreg [dreg:$0x0]  }
0x2: {  	s1 =	rddreg [dreg:$0x1]  }
0x3: {  	s2 =	rddreg [dreg:$0x2]  }
0x4: {  	s3 =	rddreg [dreg:$0x3]  }
0x5: {  	s5 =	srdreg.scid;
	s12 =	stileid.u32  }
0x6: {  	s4 =	simm.s32 $0x0;
	s18 =	simm.s32 $0x2800;
	s19 =	simm.s32 $0x5  }
0x7: {  	s21 =	simm.s32 $0x1400;
	s22 =	simm.s32 $0x80;
	s28 =	simm.s32 $0x3  }
0x8: {  	s29 =	simm.s32 $0x100;
	s30 =	simm.s32 $0x4;
	s6 =	smul.u32 $0xA000, s12  }
0x9: {  	s31 =	simm.s32 $0x0;
	s5 =	sand.u32 $0x1, s5;
	s9 =	smul.u32 $0x28000, s12  }
0xa: {  	[smem:$0x7FF] =	sst s4;
	s14 =	sadd.s32 $0xC200, s1;
	s11 =	smul.u32 $0x9C40, s12  }
0xb: {  	s15 =	sadd.s32 $0x2200, s1;
	s10 =	sadd.s32 $0x16200, s1;
	s7 =	smul.u32 $0xA0000, s5  }
0xc: {  	_ =	strace $0x8000004D;
	s8 =	ssub.s32 $0x2, s5;
	[dreg:$0x5] =	wrdreg s10  }
0xd: {  	s5 =	sshll.u32 s5, $0x4;
	s23 =	sshrl.u32 s8, $0x1;
	s24 =	sshrl.u32 s9, $0x2  }
0xe: {  	s5 =	sor.u32 s12, s5;
	s20 =	sadd.s32 s11, s3;
	s11 =	sshrl.u32 s11, $0x3  }
0xf: {  	s7 =	sadd.s32 s6, s7;
	s17 =	ssub.s32 s8, s23;
	s25 =	sadd.s32 s24, s2  }
0x10: {  	s6 =	sadd.s32 s6, s2;
	s5 =	smul.u32 $0x2800, s5;
	s11 =	sadd.s32 s0, s11  }
0x11: {  	s20 =	sshrl.u32 s20, $0x3;
	s23 =	simm.s32 $0x1;
	s24 =	simm.s32 $0x4800  }
0x12: {  	s7 =	sshrl.u32 s7, $0x3;
	s8 =	sadd.s32 $0x4000, s25;
	s9 =	sadd.s32 $0x6000, s25  }
.Ltmp0:
0x13: {  	s10 =	sadd.s32 $0x8000, s25;
	s17 =	smax.u32 s17, $0x1;
	(pc) =	sbr.rel .LBB2_1-.Ltmp0, $4  }
0x14: {  	s1 =	sadd.s32 s7, s1;
	s7 =	sadd.s32 $0x2000, s25;
	s5 =	sshrl.u32 s5, $0x3  }
0x15: {  	s25 =	simm.s32 $0x2;
	[dreg:$0x6] =	wrdreg s7;
	s12 =	sadd.s32 s14, s5  }
0x16: {  	s26 =	sadd.s32 $0x280, s5;
	s13 =	sadd.s32 s15, s5;
	s16 =	sadd.s32 $0x16600, s1  }
0x17: {  	s14 =	sadd.s32 s14, s26;
	s15 =	sadd.s32 s15, s26;
	s26 =	simm.s32 $0x1480  }
.LBB2_7:
0x18: {  	_ =	swait.ge [sflag:s30], $0x2000  }
0x19: {  	s31 =	sadd.s32 $0x1, s31;
	[sflag:s30] =	ssyncset.done $0x0  }
0x1a: {  	p0 =	sne.s32 s31, s17;
	[sflag:s30] =	ssyncadd.s32 $0xFFFFE000  }
.Ltmp1:
0x1b: {  	s1 =	sshrl.u32 s6, $0x3;
	[bflag:$0x0] =	sbarrier.arrive $0xFFFF;
	(pc) =	sbr.rel @!p0 .LBB2_8-.Ltmp1, $4  }
0x1c: {  	[hbm:s16], [sflag:s0] =	dma.local [spmem:s1], $0x1400  }
0x1d: {  	_ =	swait.ge [sflag:s19], $0x1400  }
0x1e: {  	[sflag:s19] =	ssyncset.done $0x0  }
0x1f: {  	[sflag:s19] =	ssyncadd.s32 $0xFFFFEC00  }
.LBB2_1:
0x20: {  	s0 =	rddreg [dreg:$0x5]  }
0x21: {  	[tilespmem:s18], [sflag:$0x5] =	stream.linear.gather [hbm4b:s0+s4], $0x2000, $0x38;
	[tilespmem:$0x1A440] =	vst v63  }
0x22: {  	_ =	swait.ge [sflag:s19], $0x2000  }
0x23: {  	[sflag:s19] =	ssyncset.done $0x0  }
0x24: {  	[sflag:s19] =	ssyncadd.s32 $0xFFFFE000  }
0x25: {  	[spmem:s6] =	stream.linear.scatter [tilespmem:s18], [sflag:$0x5], $0x2000, $0x38;
	[tilespmem:$0x1A440] =	vst v63  }
0x26: {  	_ =	swait.ge [sflag:s19], $0x2000  }
0x27: {  	[sflag:s19] =	ssyncset.done $0x0  }
0x28: {  	s5 =	rddreg [dreg:$0x6];
	[sflag:s19] =	ssyncadd.s32 $0xFFFFE000  }
0x29: {  	[spmem:s5] =	stream.linear.scatter [tilespmem:s18], [sflag:$0x5], $0x2000, $0x38;
	[tilespmem:$0x1A440] =	vst v63  }
0x2a: {  	_ =	swait.ge [sflag:s19], $0x2000  }
0x2b: {  	[sflag:s19] =	ssyncset.done $0x0  }
0x2c: {  	[sflag:s19] =	ssyncadd.s32 $0xFFFFE000  }
0x2d: {  	[spmem:s8] =	stream.linear.scatter [tilespmem:s18], [sflag:$0x5], $0x2000, $0x38;
	[tilespmem:$0x1A440] =	vst v63  }
0x2e: {  	_ =	swait.ge [sflag:s19], $0x2000  }
0x2f: {  	[sflag:s19] =	ssyncset.done $0x0  }
0x30: {  	[sflag:s19] =	ssyncadd.s32 $0xFFFFE000  }
0x31: {  	[spmem:s9] =	stream.linear.scatter [tilespmem:s18], [sflag:$0x5], $0x2000, $0x38;
	[tilespmem:$0x1A440] =	vst v63  }
0x32: {  	_ =	swait.ge [sflag:s19], $0x2000  }
0x33: {  	[sflag:s19] =	ssyncset.done $0x0  }
0x34: {  	[sflag:s19] =	ssyncadd.s32 $0xFFFFE000  }
0x35: {  	[spmem:s10] =	stream.linear.scatter [tilespmem:s18], [sflag:$0x5], $0x2000, $0x38;
	[tilespmem:$0x1A440] =	vst v63  }
0x36: {  	s7 =	stileid.u32;
	_ =	swait.ge [sflag:s19], $0x2000  }
0x37: {  	s0 =	sshll.u32 s7, $0x6;
	[sflag:s19] =	ssyncset.done $0x0  }
0x38: {  	s0 =	sor.u32 $0x1C05, s0;
	[sflag:s19] =	ssyncadd.s32 $0xFFFFE000  }
0x39: {  	[spmem:s20], [sflag:s0] =	dma.local [hbm:s11], $0x1388  }
0x3a: {  	_ =	swait.ge [sflag:s19], $0x1388  }
0x3b: {  	[sflag:s19] =	ssyncset.done $0x0  }
0x3c: {  	[sflag:s19] =	ssyncadd.s32 $0xFFFFEC78  }
0x3d: {  	[bflag:$0x0] =	sbarrier.arrive $0xFFFF  }
0x3e: {  	[tilespmem:s4], [sflag:$0x5] =	stream.linear.gather [hbm4b:s12+s4], $0x1400, $0x38;
	[tilespmem:$0x1A440] =	vst v63  }
0x3f: {  	_ =	swait.ge [sflag:s19], $0x1400  }
0x40: {  	[sflag:s19] =	ssyncset.done $0x0  }
0x41: {  	[sflag:s19] =	ssyncadd.s32 $0xFFFFEC00  }
0x42: {  	[tilespmem:s21], [sflag:$0x5] =	stream.linear.gather [hbm4b:s13+s4], $0x1400, $0x38;
	[tilespmem:$0x1A440] =	vst v63  }
0x43: {  	_ =	swait.ge [sflag:s19], $0x1400  }
0x44: {  	[sflag:s19] =	ssyncset.done $0x0  }
0x45: {  	[sflag:s19] =	ssyncadd.s32 $0xFFFFEC00  }
0x46: {  	[tilespmem:s18], [sflag:$0x1] =	stream.indirect.gather [spmem:s3], $0x40, s4, s22, $0xb8;
	[tilespmem:$0x1A440] =	vst v63  }
0x47: {  	_ =	swait.ge [sflag:s23], $0x2000  }
0x48: {  	[sflag:s23] =	ssyncset.done $0x0  }
0x49: {  	[sflag:s23] =	ssyncadd.s32 $0xFFFFE000  }
0x4a: {  	[spmem:s2] =	stream.indirect.scatter.add.f32 [tilespmem:s18], [sflag:$0x3], $0x40, s21, s22, $0xb8;
	[tilespmem:$0x1A440] =	vst v63  }
0x4b: {  	_ = 	snop  }
0x4c: {  	[tilespmem:s24], [sflag:$0x2] =	stream.indirect.gather [spmem:s3], $0x40, s22, s22, $0xb8;
	[tilespmem:$0x1A440] =	vst v63  }
0x4d: {  	_ =	swait.ge [sflag:s25], $0x2000  }
0x4e: {  	[sflag:s25] =	ssyncset.done $0x0  }
0x4f: {  	[sflag:s25] =	ssyncadd.s32 $0xFFFFE000  }
0x50: {  	[spmem:s2] =	stream.indirect.scatter.add.f32 [tilespmem:s24], [sflag:$0x4], $0x40, s26, s22, $0xb8;
	[tilespmem:$0x1A440] =	vst v63  }
0x51: {  	_ =	swait.ge [sflag:s28], $0x2000  }
0x52: {  	[sflag:s28] =	ssyncset.done $0x0  }
0x53: {  	s1 =	simm.s32 $0xFFFFB800;
	[sflag:s28] =	ssyncadd.s32 $0xFFFFE000  }
0x54: {  	[tilespmem:s18], [sflag:$0x1] =	stream.indirect.gather [spmem:s3], $0x40, s29, s22, $0xb8;
	[tilespmem:$0x1A440] =	vst v63  }
.LBB2_2:
0x55: {  	_ =	swait.ge [sflag:s23], $0x2000  }
0x56: {  	s5 =	sshra.s32 s1, $0x2;
	[sflag:s23] =	ssyncset.done $0x0  }
0x57: {  	s7 =	sadd.s32 $0x2700, s5;
	[sflag:s23] =	ssyncadd.s32 $0xFFFFE000  }
0x58: {  	[spmem:s2] =	stream.indirect.scatter.add.f32 [tilespmem:s18], [sflag:$0x3], $0x40, s7, s22, $0xb8;
	[tilespmem:$0x1A440] =	vst v63  }
0x59: {  	_ =	swait.ge [sflag:s30], $0x2000  }
0x5a: {  	[sflag:s30] =	ssyncset.done $0x0  }
0x5b: {  	s7 =	sadd.s32 $0x1380, s5;
	[sflag:s30] =	ssyncadd.s32 $0xFFFFE000  }
0x5c: {  	[tilespmem:s24], [sflag:$0x2] =	stream.indirect.gather [spmem:s3], $0x40, s7, s22, $0xb8;
	[tilespmem:$0x1A440] =	vst v63  }
0x5d: {  	_ =	swait.ge [sflag:s25], $0x2000  }
0x5e: {  	p0 =	seq.s32 s1, $0x0;
	[sflag:s25] =	ssyncset.done $0x0  }
.Ltmp2:
0x5f: {  	s7 =	sadd.s32 $0x2780, s5;
	[sflag:s25] =	ssyncadd.s32 $0xFFFFE000;
	(pc) =	sbr.rel @p0 .LBB2_4-.Ltmp2, $4  }
0x60: {  	[spmem:s2] =	stream.indirect.scatter.add.f32 [tilespmem:s24], [sflag:$0x4], $0x40, s7, s22, $0xb8;
	[tilespmem:$0x1A440] =	vst v63  }
0x61: {  	_ =	swait.ge [sflag:s28], $0x2000  }
0x62: {  	[sflag:s28] =	ssyncset.done $0x0  }
0x63: {  	[sflag:s28] =	ssyncadd.s32 $0xFFFFE000  }
.Ltmp3:
0x64: {  	(pc) =	sbr.rel .LBB2_2-.Ltmp3, $3  }
0x65: {  	_ =	sdelay $0x1  }
0x66: {  	s5 =	sadd.s32 $0x1400, s5;
	s1 =	sadd.s32 $0x400, s1  }
0x67: {  	[tilespmem:s18], [sflag:$0x1] =	stream.indirect.gather [spmem:s3], $0x40, s5, s22, $0xb8;
	[tilespmem:$0x1A440] =	vst v63  }
.LBB2_4:
0x68: {  	_ =	swait.ge [sflag:s30], $0x2000  }
0x69: {  	[sflag:s30] =	ssyncset.done $0x0  }
0x6a: {  	[sflag:s30] =	ssyncadd.s32 $0xFFFFE000  }
0x6b: {  	[tilespmem:s4], [sflag:$0x5] =	stream.linear.gather [hbm4b:s14+s4], $0x1400, $0x38;
	[tilespmem:$0x1A440] =	vst v63  }
0x6c: {  	_ =	swait.ge [sflag:s19], $0x1400  }
0x6d: {  	[sflag:s19] =	ssyncset.done $0x0  }
0x6e: {  	[sflag:s19] =	ssyncadd.s32 $0xFFFFEC00  }
0x6f: {  	[tilespmem:s21], [sflag:$0x5] =	stream.linear.gather [hbm4b:s15+s4], $0x1400, $0x38;
	[tilespmem:$0x1A440] =	vst v63  }
0x70: {  	_ =	swait.ge [sflag:s19], $0x1400  }
0x71: {  	[sflag:s19] =	ssyncset.done $0x0  }
0x72: {  	[sflag:s19] =	ssyncadd.s32 $0xFFFFEC00  }
0x73: {  	[tilespmem:s18], [sflag:$0x1] =	stream.indirect.gather [spmem:s3], $0x40, s4, s22, $0xb8;
	[tilespmem:$0x1A440] =	vst v63  }
0x74: {  	_ =	swait.ge [sflag:s23], $0x2000  }
0x75: {  	[sflag:s23] =	ssyncset.done $0x0  }
0x76: {  	[sflag:s23] =	ssyncadd.s32 $0xFFFFE000  }
0x77: {  	[spmem:s2] =	stream.indirect.scatter.add.f32 [tilespmem:s18], [sflag:$0x3], $0x40, s21, s22, $0xb8;
	[tilespmem:$0x1A440] =	vst v63  }
0x78: {  	_ = 	snop  }
0x79: {  	[tilespmem:s24], [sflag:$0x2] =	stream.indirect.gather [spmem:s3], $0x40, s22, s22, $0xb8;
	[tilespmem:$0x1A440] =	vst v63  }
0x7a: {  	_ =	swait.ge [sflag:s25], $0x2000  }
0x7b: {  	[sflag:s25] =	ssyncset.done $0x0  }
0x7c: {  	[sflag:s25] =	ssyncadd.s32 $0xFFFFE000  }
0x7d: {  	[spmem:s2] =	stream.indirect.scatter.add.f32 [tilespmem:s24], [sflag:$0x4], $0x40, s26, s22, $0xb8;
	[tilespmem:$0x1A440] =	vst v63  }
0x7e: {  	_ =	swait.ge [sflag:s28], $0x2000  }
0x7f: {  	[sflag:s28] =	ssyncset.done $0x0  }
0x80: {  	s1 =	simm.s32 $0xFFFFB800;
	[sflag:s28] =	ssyncadd.s32 $0xFFFFE000  }
0x81: {  	[tilespmem:s18], [sflag:$0x1] =	stream.indirect.gather [spmem:s3], $0x40, s29, s22, $0xb8;
	[tilespmem:$0x1A440] =	vst v63  }
.LBB2_5:
0x82: {  	_ =	swait.ge [sflag:s23], $0x2000  }
0x83: {  	s5 =	sshra.s32 s1, $0x2;
	[sflag:s23] =	ssyncset.done $0x0  }
0x84: {  	s7 =	sadd.s32 $0x2700, s5;
	[sflag:s23] =	ssyncadd.s32 $0xFFFFE000  }
0x85: {  	[spmem:s2] =	stream.indirect.scatter.add.f32 [tilespmem:s18], [sflag:$0x3], $0x40, s7, s22, $0xb8;
	[tilespmem:$0x1A440] =	vst v63  }
0x86: {  	_ =	swait.ge [sflag:s30], $0x2000  }
0x87: {  	[sflag:s30] =	ssyncset.done $0x0  }
0x88: {  	s7 =	sadd.s32 $0x1380, s5;
	[sflag:s30] =	ssyncadd.s32 $0xFFFFE000  }
0x89: {  	[tilespmem:s24], [sflag:$0x2] =	stream.indirect.gather [spmem:s3], $0x40, s7, s22, $0xb8;
	[tilespmem:$0x1A440] =	vst v63  }
0x8a: {  	_ =	swait.ge [sflag:s25], $0x2000  }
0x8b: {  	p0 =	seq.s32 s1, $0x0;
	[sflag:s25] =	ssyncset.done $0x0  }
.Ltmp4:
0x8c: {  	s7 =	sadd.s32 $0x2780, s5;
	[sflag:s25] =	ssyncadd.s32 $0xFFFFE000;
	(pc) =	sbr.rel @p0 .LBB2_7-.Ltmp4, $4  }
0x8d: {  	[spmem:s2] =	stream.indirect.scatter.add.f32 [tilespmem:s24], [sflag:$0x4], $0x40, s7, s22, $0xb8;
	[tilespmem:$0x1A440] =	vst v63  }
0x8e: {  	_ =	swait.ge [sflag:s28], $0x2000  }
0x8f: {  	[sflag:s28] =	ssyncset.done $0x0  }
0x90: {  	[sflag:s28] =	ssyncadd.s32 $0xFFFFE000  }
.Ltmp5:
0x91: {  	(pc) =	sbr.rel .LBB2_5-.Ltmp5, $3  }
0x92: {  	_ =	sdelay $0x1  }
0x93: {  	s5 =	sadd.s32 $0x1400, s5;
	s1 =	sadd.s32 $0x400, s1  }
0x94: {  	[tilespmem:s18], [sflag:$0x1] =	stream.indirect.gather [spmem:s3], $0x40, s5, s22, $0xb8;
	[tilespmem:$0x1A440] =	vst v63  }
.LBB2_8:
0x95: {  	_ =	sfence.sel $0x180000  }
0x96: {  	[bflag:$0x0] =	sbarrier.arrive $0xFFFF  }
0x97: {  	_ =	strace $0x9000004D  }
0x98: {  	s0 =	stileid.u32;
	[bflag:$0x2] =	sbarrier.arrive $0xFFFF  }
0x99: {  	p0 =	sne.s32 s0, $0x0;
	s0 =	rddreg [dreg:$0x4]  }
0x9a: {  	s0 =	sadd.s32 @!p0 $0x100000, s0  }
0x9b: {  	[sflag:s0] =	ssyncadd.tile.s32 @!p0 $0x1;
	_ =	shalt  }
.Lfunc_end2:
_tile_overlayer_lowered:
.L_overlay_start_2:
0x9c: {  	(tag) =	ssettag $0x2  }
0x9d: {  	s0 =	rddreg [dreg:$0x0];
	s2 =	stileid.u32  }
0x9e: {  	s1 =	rddreg [dreg:$0x1];
	p0 =	sne.s32 s2, $0x0  }
0x9f: {  	s3 =	rddreg [dreg:$0x2];
	[bflag:$0x3] =	sbarrier.arrive $0xFFFF;
	s2 =	simm.s32 @!p0 $0x1C05  }
0xa0: {  	[timem:s3], [sflag:s2] =	dma.local @!p0 [hbm:s0], s1  }
0xa1: {  	s0 =	simm.s32 @!p0 $0x5  }
0xa2: {  	_ =	swait.ge @!p0 [sflag:s0], s1  }
0xa3: {  	s1 =	ssub.s32 @!p0 $0x0, s1;
	[sflag:s0] =	ssyncset.done @!p0 $0x0  }
0xa4: {  	[sflag:s0] =	ssyncadd.s32 @!p0 s1  }
0xa5: {  	[bflag:$0x3] =	sbarrier.arrive $0xFFFF  }
0xa6: {  	_ =	shalt  }

// kernel: kernel.8.cloned.1.call-start
scs
__scs_entry_jumppad:
0x0: {  	(pc) =	sbr.rel $0x88, $3  }
0x1: {  	(tag) =	ssettag $0x0;
	lr =	simm.s32 $0x1  }
0x2: {  	[smem:$0x3F9B] =	sst lr;
	_ =	strace $0xD0000000  }
0x3: {  	_ = 	snop  }
0x4: {  	_ = 	snop  }
0x5: {  	_ = 	snop  }
0x6: {  	_ = 	snop  }
0x7: {  	_ = 	snop  }
__scs_overlays_trampoline_lowered:
0x8: {  	[smem:$0x3FAA] =	sst s0  }
0x9: {  	[smem:$0x3FAB] =	sst s1  }
0xa: {  	[smem:$0x3FAC] =	sst s2  }
0xb: {  	[smem:$0x3FAD] =	sst s3  }
0xc: {  	[smem:$0x3FAE] =	sst s4  }
0xd: {  	[smem:$0x3FAF] =	sst s5  }
0xe: {  	[smem:$0x3FB0] =	sst s6  }
0xf: {  	[smem:$0x3FB1] =	sst s7  }
0x10: {  	[smem:$0x3FB2] =	sst s8  }
0x11: {  	[smem:$0x3FB3] =	sst s9;
	s0 =	simm.s32 @!p0 $0x0  }
0x12: {  	s1 =	sld [smem:$0x3F99];
	s0 =	simm.s32 @p0 $0x1  }
0x13: {  	[smem:$0x3FB4] =	sst s0;
	s0 =	simm.s32 @!p1 $0x0  }
0x14: {  	s2 =	sld [smem:$0x3F98];
	s0 =	simm.s32 @p1 $0x1  }
0x15: {  	[smem:$0x3FB5] =	sst s0;
	s0 =	simm.s32 @!p2 $0x0  }
0x16: {  	s3 =	sld [smem:$0x3FDB];
	s0 =	simm.s32 @p2 $0x1  }
0x17: {  	s4 =	simm.s32 $0x1BF5;
	[smem:$0x3FB7] =	sst s0  }
0x18: {  	s0 =	sld [smem:$0x3F9A];
	_ =	swait.ge [sflag:s4], $0x0  }
0x19: {  	s7 =	sld [smem:$0x3F9B]  }
0x1a: {  	s8 =	sadd.s32 $0xFFFFE003, lr  }
0x1b: {  	s9 =	sadd.s32 $0xFFFFFEF7, lr;
	s5 =	simm.s32 $0xFFFFFFFF;
	p2 =	slt.u32 s8, $0xFFFFF086  }
0x1c: {  	p1 =	slt.u32 s9, $0xF7A;
	s5 =	simm.s32 @!p2 $0x0  }
0x1d: {  	s5 =	simm.s32 @p1 $0x1;
	p0 =	seq.s32 s7, s2  }
0x1e: {  	s7 =	smul.u32 @!p0 $0xF7A, s2;
	p2 =	seq.s32 @!p0 s5, $0x0  }
0x1f: {  	s9 =	smul.u32 $0xF7A, s1;
	s8 =	simm.s32 @!p0 $0x1BF5;
	p2 =	por !p2, p0  }
0x20: {  	[sflag:s8] =	ssyncset.s32 @!p0 $0xFFFFF086;
	s6 =	sadd.s32 @!p0 s3, s7;
	s7 =	simm.s32 @!p0 $0x108  }
0x21: {  	s3 =	sadd.s32 s3, s9;
	s6 =	sadd.s32 @!p0 $0x88, s6;
	s7 =	simm.s32 @p2 $0x1082  }
0x22: {  	[simem:s7], [sflag:s8] =	dma.local @!p0 [hbm:s6], $0xF7A  }
0x23: {  	s9 =	sor.u32 $0xD0000000, s2;
	s6 =	simm.s32 $0x108;
	_ =	swait.ge @!p0 [sflag:s8], $0x0  }
0x24: {  	s3 =	sadd.s32 $0x88, s3;
	s6 =	simm.s32 @!p1 $0x1082;
	[sflag:s4] =	ssyncset.s32 $0xFFFFF086  }
0x25: {  	[simem:s6], [sflag:s4] =	dma.local [hbm:s3], $0xF7A  }
0x26: {  	[smem:$0x3F9B] =	sst s1;
	(tag) =	ssettag s2;
	_ =	strace s9  }
0x27: {  	s1 =	sld [smem:$0x3FAB]  }
0x28: {  	s2 =	sld [smem:$0x3FAC]  }
0x29: {  	s4 =	sld [smem:$0x3FAE]  }
0x2a: {  	p0 =	seq.s32 s5, $0x0;
	s5 =	sld [smem:$0x3FAF]  }
0x2b: {  	s6 =	sld [smem:$0x3FB0]  }
0x2c: {  	s7 =	sld [smem:$0x3FB1]  }
0x2d: {  	s3 =	simm.s32 $0x108;
	s8 =	sld [smem:$0x3FB2]  }
0x2e: {  	s3 =	simm.s32 @!p0 $0x1082;
	s9 =	sld [smem:$0x3FB3]  }
0x2f: {  	lr =	sadd.s32 s0, s3;
	s0 =	sld [smem:$0x3FAA]  }
0x30: {  	s3 =	sld [smem:$0x3FAD]  }
0x31: {  	[smem:$0x3FB6] =	sst s10  }
0x32: {  	s10 =	sld [smem:$0x3FB4];
	_ =	sdelay $0x3  }
0x33: {  	p0 =	seq.s32 s10, $0x1;
	s10 =	sld [smem:$0x3FB6];
	_ =	sdelay $0x3  }
0x34: {  	[smem:$0x3FB6] =	sst s10  }
0x35: {  	s10 =	sld [smem:$0x3FB5];
	_ =	sdelay $0x3  }
0x36: {  	p1 =	seq.s32 s10, $0x1;
	s10 =	sld [smem:$0x3FB6];
	_ =	sdelay $0x3  }
0x37: {  	[smem:$0x3FB6] =	sst s10  }
0x38: {  	s10 =	sld [smem:$0x3FB7]  }
0x39: {  	_ = 	snop;
	(pc) =	sbr.ind lr, $3  }
0x3a: {  	_ = 	snop  }
0x3b: {  	_ = 	snop  }
0x3c: {  	p2 =	seq.s32 s10, $0x1;
	s10 =	sld [smem:$0x3FB6]  }
0x3d: {  	_ =	shalt  }
0x3e: {  	_ =	shalt  }
0x3f: {  	_ =	shalt  }
0x40: {  	_ =	shalt  }
0x41: {  	_ =	shalt  }
0x42: {  	_ =	shalt  }
0x43: {  	_ =	shalt  }
0x44: {  	_ =	shalt  }
0x45: {  	_ =	shalt  }
0x46: {  	_ =	shalt  }
0x47: {  	_ =	shalt  }
0x48: {  	_ =	shalt  }
0x49: {  	_ =	shalt  }
0x4a: {  	_ =	shalt  }
0x4b: {  	_ =	shalt  }
0x4c: {  	_ =	shalt  }
0x4d: {  	_ =	shalt  }
0x4e: {  	_ =	shalt  }
0x4f: {  	_ =	shalt  }
0x50: {  	_ =	shalt  }
0x51: {  	_ =	shalt  }
0x52: {  	_ =	shalt  }
0x53: {  	_ =	shalt  }
0x54: {  	_ =	shalt  }
0x55: {  	_ =	shalt  }
0x56: {  	_ =	shalt  }
0x57: {  	_ =	shalt  }
0x58: {  	_ =	shalt  }
0x59: {  	_ =	shalt  }
0x5a: {  	_ =	shalt  }
0x5b: {  	_ =	shalt  }
0x5c: {  	_ =	shalt  }
0x5d: {  	_ =	shalt  }
0x5e: {  	_ =	shalt  }
0x5f: {  	_ =	shalt  }
0x60: {  	_ =	shalt  }
0x61: {  	_ =	shalt  }
0x62: {  	_ =	shalt  }
0x63: {  	_ =	shalt  }
0x64: {  	_ =	shalt  }
0x65: {  	_ =	shalt  }
0x66: {  	_ =	shalt  }
0x67: {  	_ =	shalt  }
0x68: {  	_ =	shalt  }
0x69: {  	_ =	shalt  }
0x6a: {  	_ =	shalt  }
0x6b: {  	_ =	shalt  }
0x6c: {  	_ =	shalt  }
0x6d: {  	_ =	shalt  }
0x6e: {  	_ =	shalt  }
0x6f: {  	_ =	shalt  }
0x70: {  	_ =	shalt  }
0x71: {  	_ =	shalt  }
0x72: {  	_ =	shalt  }
0x73: {  	_ =	shalt  }
0x74: {  	_ =	shalt  }
0x75: {  	_ =	shalt  }
0x76: {  	_ =	shalt  }
0x77: {  	_ =	shalt  }
0x78: {  	_ =	shalt  }
0x79: {  	_ =	shalt  }
0x7a: {  	_ =	shalt  }
0x7b: {  	_ =	shalt  }
0x7c: {  	_ =	shalt  }
0x7d: {  	_ =	shalt  }
0x7e: {  	_ =	shalt  }
0x7f: {  	_ =	shalt  }
0x80: {  	_ =	shalt  }
0x81: {  	_ =	shalt  }
0x82: {  	_ =	shalt  }
0x83: {  	_ =	shalt  }
0x84: {  	_ =	shalt  }
0x85: {  	_ =	shalt  }
0x86: {  	_ =	shalt  }
0x87: {  	_ =	shalt  }
.Lfunc_end0:
.L_simem_size_0:
called_computation_lowered:
.L_overlay_start_0:
0x88: {  	s2 =	sld [smem:$0x3FD9]  }
0x89: {  	s3 =	sld [smem:$0x3FFE];
	_ =	sdelay $0x1  }
0x8a: {  	s1 =	srdreg.scid  }
0x8b: {  	s0 =	sand.u32 $0x1, s1  }
0x8c: {  	s17 =	sshll.u32 s0, $0xA;
	s2 =	sadd.s32 s3, s2  }
0x8d: {  	s2 =	sadd.s32 s2, s17  }
0x8e: {  	[smem:$0x3FC2] =	sst s2  }
0x8f: {  	_ = 	snop  }
0x90: {  	s2 =	sld [smem:$0x3FD0];
	(tm) =	ssettm $0x1  }
0x91: {  	s18 =	sld [smem:$0x3FFB];
	_ =	sdelay $0x3  }
0x92: {  	_ =	strace s18  }
0x93: {  	s3 =	sld [smem:$0x3FFC];
	_ =	sdelay $0x3  }
0x94: {  	_ =	strace s3  }
0x95: {  	s3 =	sld [smem:$0x3FFD];
	_ =	sdelay $0x3  }
0x96: {  	_ =	strace s3  }
0x97: {  	_ =	strace $0x8FFFFFFF  }
0x98: {  	s19 =	sld [smem:$0x3FDB];
	_ =	sdelay $0x1  }
0x99: {  	s4 =	simm.s32 $_scs_section_size  }
0x9a: {  	s5 =	simm.s32 $_size__tile_overlayer_lowered;
	s6 =	simm.s32 $_tile_overlayer_lowered  }
0x9b: {  	s22 =	simm.s32 $0x1BFF;
	s21 =	sshll.u32 s6, $0x1;
	s3 =	sadd.s32 s4, s19  }
0x9c: {  	s7 =	simm.s32 $0x0;
	s20 =	sshll.u32 s5, $0x1;
	s5 =	sadd.s32 s21, s3  }
0x9d: {  	[timem:s7], [sflag:s22] =	dma.local [hbm:s5], s20  }
0x9e: {  	_ =	swait.ge [sflag:s22], s20  }
0x9f: {  	s4 =	ssub.s32 $0x0, s20;
	[sflag:s22] =	ssyncset.done $0x0  }
0xa0: {  	[sflag:s22] =	ssyncadd.s32 s4;
	_ =	sdelay $0x1  }
0xa1: {  	s23 =	simm.s32 $0x1B8B  }
0xa2: {  	_ =	swait.ge [sflag:s23], $0x1  }
0xa3: {  	[sflag:s23] =	ssyncset.done $0x0  }
0xa4: {  	s25 =	simm.s32 $0x1B8E;
	s24 =	sld [smem:$0x3FFE];
	[sflag:s23] =	ssyncadd.s32 $0xFFFFFFFF  }
0xa5: {  	s26 =	simm.s32 $execute0_lowered;
	[smem:$0x3FD2] =	sst s25  }
0xa6: {  	s5 =	sshll.u32 s26, $0x1;
	_ =	strace $0x80000046;
	[dreg:$0x1] =	wrdreg $0xFFFFFFFF  }
0xa7: {  	s28 =	simm.s32 $_size_execute0_lowered;
	s3 =	sadd.s32 s3, s5;
	[dreg:$0x0] =	wrdreg $0x0  }
0xa8: {  	s5 =	sshll.u32 s28, $0x1;
	[dreg:$0x2] =	wrdreg s3  }
0xa9: {  	[dreg:$0x3] =	wrdreg s5  }
0xaa: {  	[dreg:$0x4] =	wrdreg $0xC0  }
0xab: {  	_ =	task [dreg:s7], $0x5FFFF  }
0xac: {  	[dreg:$0x1] =	wrdreg $0xFFFFFFFF  }
0xad: {  	[dreg:$0x0] =	wrdreg $0x60  }
0xae: {  	[dreg:$0x2] =	wrdreg s24  }
0xaf: {  	[dreg:$0x3] =	wrdreg s2  }
0xb0: {  	[dreg:$0x4] =	wrdreg $0x30000  }
0xb1: {  	[dreg:$0x5] =	wrdreg $0x9  }
0xb2: {  	_ =	task.clear_ibuf [dreg:s7], $0x6FFFF;
	_ =	strace $0x90000046  }
0xb3: {  	s29 =	simm.s32 $0x9;
	_ =	strace $0x80000048  }
0xb4: {  	_ =	swait.ge [sflag:s29], $0x1  }
0xb5: {  	[sflag:s29] =	ssyncadd.s32 $0xFFFFFFFF  }
0xb6: {  	_ =	strace $0x90000048  }
0xb7: {  	_ =	sfence  }
0xb8: {  	s30 =	sld [smem:$0x0];
	_ =	sdelay $0x2  }
0xb9: {  	s31 =	sshll.u32 s1, $0xD;
	s1 =	sshrl.u32 s1, $0x2  }
0xba: {  	s3 =	sand.u32 $0x4000, s31;
	s1 =	sadd.s32 s1, s30  }
0xbb: {  	s0 =	sor.u32 s3, s0;
	s1 =	sshll.u32 s1, $0x11  }
0xbc: {  	s0 =	sor.u32 s1, s0  }
0xbd: {  	s0 =	sadd.s32 $0x8F2B, s0  }
0xbe: {  	[sflag:s0] =	ssyncadd.remote.s32 $0x1  }
0xbf: {  	_ =	sfence.sel $0xFFFF  }
0xc0: {  	[dreg:$0x0] =	wrdreg $0xFFFFFFFF;
	(pc) =	sbr.abs _section_cstart, $3  }
0xc1: {  	[dreg:$0x1] =	wrdreg $0xFFFFFFFF  }
0xc2: {  	_ =	task.clear_ibuf [dreg:s7], $0x2FFFF;
	_ =	strace $0x9FFFFFFF  }
0xc3: {  	(tm) =	ssettm $0x7FFFFFFF  }
tec
execute0_lowered:
.L_overlay_start_1:
0x0: {  	(tag) =	ssettag $0x1  }
0x1: {  	s5 =	rddreg [dreg:$0x0]  }
0x2: {  	s0 =	srdreg.scid;
	s8 =	rddreg [dreg:$0x1]  }
0x3: {  	s2 =	rddreg [dreg:$0x2];
	s3 =	simm.s32 $0x0;
	s13 =	simm.s32 $0x80  }
0x4: {  	s14 =	simm.s32 $0x0;
	s4 =	sand.u32 $0x1, s0;
	s0 =	stileid.u32  }
0x5: {  	[smem:$0x7FF] =	sst s3;
	s1 =	sshll.u32 s4, $0x4;
	s7 =	smul.u32 $0x2800, s0  }
0x6: {  	s10 =	ssub.s32 $0x2, s4;
	s11 =	smul.u32 $0x28000, s4;
	s4 =	sadd.s32 $0x1B200, s5  }
0x7: {  	s31 =	sshll.u32 s0, $0x6;
	s6 =	sor.u32 s0, s1;
	s1 =	rddreg [dreg:$0x3]  }
0x8: {  	_ =	strace $0x80000047;
	s29 =	sshrl.u32 s10, $0x1;
	s6 =	smul.u32 $0x500, s6  }
0x9: {  	s28 =	sshrl.u32 s7, $0x3;
	s10 =	ssub.s32 s10, s29;
	s30 =	sadd.s32 s7, s11  }
0xa: {  	s12 =	sadd.s32 s7, s2;
	s11 =	sshrl.u32 s30, $0x3;
	s9 =	sadd.s32 s6, s5  }
0xb: {  	s5 =	sadd.s32 s28, s5;
	s6 =	sor.u32 $0x1C01, s31;
	s8 =	sadd.s32 s8, s11  }
0xc: {  	s11 =	simm.s32 $0x1;
	s5 =	sadd.s32 $0x16200, s5;
	s7 =	sadd.s32 $0x2200, s9  }
0xd: {  	s9 =	smax.u32 s10, $0x1;
	s10 =	sshrl.u32 s12, $0x3;
	s12 =	simm.s32 $0x2800  }
.LBB2_1:
0xe: {  	[spmem:s10], [sflag:s6] =	dma.local [hbm:s5], $0x500  }
0xf: {  	_ =	swait.ge [sflag:s11], $0x500  }
0x10: {  	[sflag:s11] =	ssyncset.done $0x0  }
0x11: {  	[sflag:s11] =	ssyncadd.s32 $0xFFFFFB00  }
0x12: {  	[tilespmem:s12], [sflag:$0x1] =	stream.linear.gather [hbm4b:s4+s3], $0x800, $0x38;
	[tilespmem:$0x5800] =	vst v63  }
0x13: {  	_ =	swait.ge [sflag:s11], $0x800  }
0x14: {  	[sflag:s11] =	ssyncset.done $0x0  }
0x15: {  	[sflag:s11] =	ssyncadd.s32 $0xFFFFF800  }
0x16: {  	[tilespmem:s3], [sflag:$0x1] =	stream.linear.gather [hbm4b:s7+s3], $0x2800, $0x38;
	[tilespmem:$0x5800] =	vst v63  }
0x17: {  	_ =	swait.ge [sflag:s11], $0x2800  }
0x18: {  	[sflag:s11] =	ssyncset.done $0x0  }
0x19: {  	[sflag:s11] =	ssyncadd.s32 $0xFFFFD800  }
0x1a: {  	s15 =	simm.s32 $0x0;
	[bflag:$0x0] =	sbarrier.arrive $0xFFFF  }
0x1b: {  	[spmem:s2] =	stream.indirect.scatter.add.f32 [tilespmem:s12], [sflag:$0x1], $0x10, s15, s13, $0xb8;
	[tilespmem:$0x5800] =	vst v63  }
0x1c: {  	_ =	swait.ge [sflag:s11], $0x800  }
0x1d: {  	s15 =	simm.s32 $0x200;
	[sflag:s11] =	ssyncset.done $0x0  }
.LBB2_2:
0x1e: {  	s16 =	sshra.s32 s15, $0x2;
	[sflag:s11] =	ssyncadd.s32 $0xFFFFF800;
	p0 =	sne.s32 s15, $0x9E00  }
0x1f: {  	[spmem:s2] =	stream.indirect.scatter.add.f32 [tilespmem:s12], [sflag:$0x1], $0x10, s16, s13, $0xb8;
	[tilespmem:$0x5800] =	vst v63  }
.Ltmp0:
0x20: {  	_ = 	snop;
	(pc) =	sbr.rel @p0 .LBB2_2-.Ltmp0, $4  }
0x21: {  	_ = 	snop  }
0x22: {  	s15 =	sadd.s32 $0x200, s15  }
0x23: {  	_ =	swait.ge [sflag:s11], $0x800  }
0x24: {  	[sflag:s11] =	ssyncset.done $0x0  }
0x25: {  	s14 =	sadd.s32 $0x1, s14  }
0x26: {  	[sflag:s11] =	ssyncadd.s32 $0xFFFFF800;
	p0 =	sne.s32 s14, s9  }
.Ltmp1:
0x27: {  	[bflag:$0x0] =	sbarrier.arrive $0xFFFF;
	(pc) =	sbr.rel @p0 .LBB2_1-.Ltmp1, $4  }
0x28: {  	[hbm:s8], [sflag:s6] =	dma.local [spmem:s10], $0x500  }
0x29: {  	_ =	swait.ge [sflag:s11], $0x500  }
0x2a: {  	[sflag:s11] =	ssyncset.done $0x0  }
0x2b: {  	[sflag:s11] =	ssyncadd.s32 $0xFFFFFB00  }
0x2c: {  	_ =	sfence.sel $0x180000  }
0x2d: {  	[bflag:$0x0] =	sbarrier.arrive $0xFFFF  }
0x2e: {  	p0 =	sne.s32 s0, $0x0;
	_ =	strace $0x90000047  }
0x2f: {  	s0 =	sadd.s32 @!p0 $0x100000, s1;
	[bflag:$0x2] =	sbarrier.arrive $0xFFFF  }
0x30: {  	[sflag:s0] =	ssyncadd.tile.s32 @!p0 $0x1;
	_ =	shalt  }
.Lfunc_end2:
_tile_overlayer_lowered:
.L_overlay_start_2:
0x31: {  	(tag) =	ssettag $0x2  }
0x32: {  	s0 =	rddreg [dreg:$0x0];
	s2 =	stileid.u32  }
0x33: {  	s1 =	rddreg [dreg:$0x1];
	p0 =	sne.s32 s2, $0x0  }
0x34: {  	s3 =	rddreg [dreg:$0x2];
	[bflag:$0x3] =	sbarrier.arrive $0xFFFF;
	s2 =	simm.s32 @!p0 $0x1C01  }
0x35: {  	[timem:s3], [sflag:s2] =	dma.local @!p0 [hbm:s0], s1  }
0x36: {  	s0 =	simm.s32 @!p0 $0x1  }
0x37: {  	_ =	swait.ge @!p0 [sflag:s0], s1  }
0x38: {  	s1 =	ssub.s32 @!p0 $0x0, s1;
	[sflag:s0] =	ssyncset.done @!p0 $0x0  }
0x39: {  	[sflag:s0] =	ssyncadd.s32 @!p0 s1  }
0x3a: {  	[bflag:$0x3] =	sbarrier.arrive $0xFFFF  }
0x3b: {  	_ =	shalt  }

</sc_bundles>
